<compile_context>
chip_gen: v7x
topology: tpu7x:2x2x1
jax: 0.10.2.dev20260603
libtpu: 0.0.44.dev20260713+nightly
codegen_flags: <defaults>
</compile_context>

<pallas_src>
import functools

import numpy as np
import jax
import jax.numpy as jnp
from jax import lax
from jax.experimental import pallas as pl
from jax.experimental.pallas import tpu as pltpu
from jax.experimental.pallas import tpu_sc as plsc

B = 8192
C = 1024
HDIM = 16
S = 8
R = 128
G = B // R
BS = B * S

EXP_ONE = 0x3F800000
LP_CONST = np.float32(-np.log(5.0) - 0.5 * np.log(2.0 * np.pi))

KS1 = 42
KS2 = 42 ^ 0x1BD11BDA


def _i32(v):
    return jnp.int32(np.int32(np.uint32(v & 0xFFFFFFFF).astype(np.int32)))


def _rotl(x, r):
    return lax.shift_left(x, _i32(r)) | lax.shift_right_logical(x, _i32(32 - r))


def _threefry_bits(x1):
    x0 = x1
    x1 = x0 ^ _rotl(x1, 13)
    for r in (15, 26, 6):
        x0 = x0 + x1
        x1 = x0 ^ _rotl(x1, r)
    x0 = x0 + _i32(KS1)
    x1 = x1 + _i32(KS2 + 1)
    for r in (17, 29, 16, 24):
        x0 = x0 + x1
        x1 = x0 ^ _rotl(x1, r)
    x0 = x0 + _i32(KS2)
    x1 = x1 + _i32(2)
    for r in (13, 15, 26, 6):
        x0 = x0 + x1
        x1 = x0 ^ _rotl(x1, r)
    x1 = x1 + _i32(KS1 + 3)
    for r in (17, 29, 16, 24):
        x0 = x0 + x1
        x1 = x0 ^ _rotl(x1, r)
    x0 = x0 + _i32(KS1)
    x1 = x1 + _i32(KS2 + 4)
    for r in (13, 15, 26, 6):
        x0 = x0 + x1
        x1 = x0 ^ _rotl(x1, r)
    x0 = x0 + _i32(KS2)
    x1 = x1 + _i32(5)
    return x0 ^ x1


def _log_softmax_rows(a):
    m = jnp.max(a, axis=-1, keepdims=True)
    sh = a - m
    return sh - jnp.log(jnp.sum(jnp.exp(sh), axis=-1, keepdims=True))


def _tc_body(x_ref, rows_ref, p_ref, w2t_ref, cnt_ref,
             qz_ref, pz_ref, idx_ref, pkl_ref, lpt_ref, lpm_ref, prk_ref):
    g = pl.program_id(0)
    xb = x_ref[...]
    pz_row = rows_ref[0:1, :]
    mu_row = rows_ref[1:2, :]
    opt_row = rows_ref[2:3, :]
    b2_row = rows_ref[3:4, :]
    w1_row = p_ref[0:1, :]
    b1_row = p_ref[1:2, :]

    h = jnp.tanh(xb * w1_row + b1_row)
    qz_raw = lax.dot_general(
        h, w2t_ref[...], (((1,), (0,)), ((), ())),
        precision=lax.Precision.HIGHEST,
        preferred_element_type=jnp.float32) + b2_row
    qz = _log_softmax_rows(qz_raw)
    qz_ref[...] = qz

    pz_ref[...] = jnp.broadcast_to(pz_row, (R, C))

    lp = -0.5 * ((xb - mu_row) / 5.0) ** 2 + LP_CONST
    tos = jnp.sum(opt_row)
    tl = _log_softmax_rows(lp + tos)
    pkl_part = jnp.sum(jnp.exp(qz) * (qz - tl))

    opt_lsm = _log_softmax_rows(opt_row)
    z1 = opt_lsm + lp
    m1 = jnp.max(z1, axis=-1, keepdims=True)
    lpt_part = jnp.sum(m1) + jnp.sum(
        jnp.log(jnp.sum(jnp.exp(z1 - m1), axis=-1)))
    z2 = pz_row + lp
    m2 = jnp.max(z2, axis=-1, keepdims=True)
    lpm_part = jnp.sum(m2) + jnp.sum(
        jnp.log(jnp.sum(jnp.exp(z2 - m2), axis=-1)))

    invB = np.float32(1.0 / B)
    is_last = g == G - 1
    pkl_acc = jnp.where(g == 0, pkl_part, pkl_ref[0, 0] + pkl_part)
    pkl_ref[0, 0] = jnp.where(is_last, pkl_acc * invB, pkl_acc)
    lpt_acc = jnp.where(g == 0, lpt_part, lpt_ref[0, 0] + lpt_part)
    lpt_ref[0, 0] = jnp.where(is_last, lpt_acc * invB, lpt_acc)
    lpm_acc = jnp.where(g == 0, lpm_part, lpm_ref[0, 0] + lpm_part)
    lpm_ref[0, 0] = jnp.where(is_last, lpm_acc * invB, lpm_acc)

    @pl.when(g == 0)
    def _():
        prk_ref[0, 0] = jnp.sum(jnp.exp(pz_row) * (pz_row - opt_lsm))

    NCHUNK = 4
    CR = (R * S) // NCHUNK
    nw_row = rows_ref[4:5, :]
    for h in range(NCHUNK):
        x1 = cnt_ref[h * CR:(h + 1) * CR, :] + g * _i32(R * S * C)
        bits = _threefry_bits(x1)
        fb = lax.shift_right_logical(bits, _i32(9)) | _i32(EXP_ONE)
        u = lax.bitcast_convert_type(fb, jnp.float32) - np.float32(1.0)
        nscore = jnp.log(u) * nw_row
        idx_ref[h * (R // NCHUNK):(h + 1) * (R // NCHUNK), :] = (
            jnp.argmin(nscore, axis=-1).astype(jnp.int32)
            .reshape(R // NCHUNK, S))


def _tc_call(x, rows8, p8, w2t, cnt0):
    scal = jax.ShapeDtypeStruct((1, 1), jnp.float32)
    smem = pl.BlockSpec(memory_space=pltpu.SMEM)
    return pl.pallas_call(
        _tc_body,
        grid=(G,),
        in_specs=[
            pl.BlockSpec((R, 1), lambda g: (g, 0)),
            pl.BlockSpec((8, C), lambda g: (0, 0)),
            pl.BlockSpec((8, HDIM), lambda g: (0, 0)),
            pl.BlockSpec((HDIM, C), lambda g: (0, 0)),
            pl.BlockSpec((R * S, C), lambda g: (0, 0)),
        ],
        out_specs=[
            pl.BlockSpec((R, C), lambda g: (g, 0)),
            pl.BlockSpec((R, C), lambda g: (g, 0)),
            pl.BlockSpec((R, S), lambda g: (g, 0)),
            smem, smem, smem, smem,
        ],
        out_shape=[
            jax.ShapeDtypeStruct((B, C), jnp.float32),
            jax.ShapeDtypeStruct((B, C), jnp.float32),
            jax.ShapeDtypeStruct((B, S), jnp.int32),
            scal, scal, scal, scal,
        ],
    )(x, rows8, p8, w2t, cnt0)



_NC = 2
_NS = 16
_NW = _NC * _NS
_PERW = BS // _NW


def _sc_gather_call(idx_flat, pz_flat, mu_flat):
    mesh = plsc.VectorSubcoreMesh(core_axis_name="c", subcore_axis_name="s")

    @functools.partial(
        pl.kernel,
        mesh=mesh,
        compiler_params=pltpu.CompilerParams(needs_layout_passes=False),
        out_type=[
            jax.ShapeDtypeStruct((BS,), jnp.float32),
            jax.ShapeDtypeStruct((BS,), jnp.float32),
        ],
        scratch_types=[
            pltpu.VMEM((_PERW,), jnp.int32),
            pltpu.VMEM((C,), jnp.float32),
            pltpu.VMEM((C,), jnp.float32),
            pltpu.VMEM((_PERW,), jnp.float32),
            pltpu.VMEM((_PERW,), jnp.float32),
        ],
    )
    def sc_kernel(idx_hbm, pz_hbm, mu_hbm, ls_hbm, loc_hbm,
                  idx_v, pz_v, mu_v, ls_v, loc_v):
        wid = lax.axis_index("s") * _NC + lax.axis_index("c")
        base = wid * _PERW
        pltpu.sync_copy(idx_hbm.at[pl.ds(base, _PERW)], idx_v)
        pltpu.sync_copy(pz_hbm, pz_v)
        pltpu.sync_copy(mu_hbm, mu_v)

        def body(i, carry):
            sl = pl.ds(i * 16, 16)
            iv = idx_v[sl]
            ls_v[sl] = plsc.load_gather(pz_v, [iv])
            loc_v[sl] = plsc.load_gather(mu_v, [iv])
            return carry

        lax.fori_loop(0, _PERW // 16, body, 0)
        pltpu.sync_copy(ls_v, ls_hbm.at[pl.ds(base, _PERW)])
        pltpu.sync_copy(loc_v, loc_hbm.at[pl.ds(base, _PERW)])

    return sc_kernel(idx_flat, pz_flat, mu_flat)


def kernel(x, n_samples, log_theta, w1, b1, w2, b2, log_theta_opt, p_mu):
    pz_row = jax.nn.log_softmax(log_theta, axis=-1)
    mu_row = p_mu.reshape(1, C)
    rows8 = jnp.concatenate(
        [pz_row, mu_row, log_theta_opt, b2.reshape(1, C),
         -jnp.exp(-pz_row),
         jnp.zeros((3, C), jnp.float32)], axis=0)
    p8 = jnp.concatenate(
        [w1.reshape(1, HDIM), b1.reshape(1, HDIM),
         jnp.zeros((6, HDIM), jnp.float32)], axis=0)
    w2t = w2.T
    cnt0 = (jnp.arange(R * S * C, dtype=jnp.int32).reshape(R * S, C)
            + np.int32(KS1))

    qz, pz, idx, pkl, lpt, lpm, prk = _tc_call(x, rows8, p8, w2t, cnt0)

    idx_flat = idx.reshape(BS)
    ls_flat, loc_flat = _sc_gather_call(idx_flat, pz_row.reshape(C),
                                        p_mu.reshape(C))

    log_s = ls_flat.reshape(B, S)
    px_loc = loc_flat.reshape(B, S, 1)
    px_scale = jnp.full((B, S, 1), np.float32(5.0), jnp.float32)
    return (px_loc, px_scale, idx, log_s, qz, pz,
            prk.reshape(()), pkl.reshape(()),
            lpt.reshape(()), lpm.reshape(()))

# --- scband reference (transcript-rebuilt; emitter-appended) ---
"""Pipeline reference for scband-gaussian-mixture-model-77421080478253 (READ-ONLY COPY).

The authoritative reference and input builder live on the scoring server;
editing this copy changes nothing except your own understanding.
"""

import jax, jax.numpy as jnp
import numpy as np

B = 8192
C = 1024
HDIM = 16
P_SCALE = 5.0
P_MU_INC = 10.0
N_SAMPLES = 8


def _kldiv(q, p):
    log_q = jax.nn.log_softmax(q, axis=-1)
    log_p = jax.nn.log_softmax(p, axis=-1)
    return (jnp.exp(log_q) * (log_q - log_p)).sum(-1)


def _normal_logprob(x, mu, scale):
    return -0.5 * ((x - mu) / scale) ** 2 - jnp.log(scale) - 0.5 * jnp.log(2.0 * jnp.pi)


def setup_inputs(seed: int = 0) -> dict:
    key = jax.random.key(seed)
    ks = jax.random.split(key, 6)
    x = jax.random.normal(ks[0], (B, 1), dtype=jnp.float32)
    log_theta = 0.1 * jax.random.normal(ks[1], (1, C), dtype=jnp.float32)
    w1 = 0.5 * jax.random.normal(ks[2], (HDIM, 1), dtype=jnp.float32)
    b1 = 0.1 * jax.random.normal(ks[3], (HDIM,), dtype=jnp.float32)
    w2 = 0.05 * jax.random.normal(ks[4], (C, HDIM), dtype=jnp.float32)
    b2 = 0.05 * jax.random.normal(ks[5], (C,), dtype=jnp.float32)
    log_theta_opt = jnp.log(5.0 + jnp.arange(C, dtype=jnp.float32))[None, :]
    p_mu = P_MU_INC * jnp.arange(C, dtype=jnp.float32)[:, None]
    return {"x": x, "n_samples": 8, "log_theta": log_theta, "w1": w1, "b1": b1,
            "w2": w2, "b2": b2, "log_theta_opt": log_theta_opt, "p_mu": p_mu}


def reference(x, n_samples, log_theta, w1, b1, w2, b2, log_theta_opt, p_mu):
    Bn = x.shape[0]
    Cc = log_theta.shape[1]
    # approx posterior q(z|x) = Cat(softmax(phi(x)))
    h = jnp.tanh(x @ w1.T + b1)
    qz_raw = h @ w2.T + b2
    qz_logits = jax.nn.log_softmax(qz_raw, axis=-1)
    # prior p(z) = Cat(softmax(log_theta)) expanded over batch
    pz_logits = jax.nn.log_softmax(jnp.broadcast_to(log_theta, (Bn, Cc)), axis=-1)
    # multinomial (i.i.d. with-replacement) sampling from the prior (sample_prior=False default)
    skey = jax.random.key(42)
    idx = jax.random.categorical(skey, pz_logits[:, None, :], axis=-1, shape=(Bn, N_SAMPLES))
    idx = idx + (n_samples - n_samples)
    log_s = jnp.take_along_axis(pz_logits, idx, axis=-1)  # log sampling weight per draw
    # observation model p(x|z) = N(mu_z, p_scale)
    px_loc = p_mu[idx]                      # (B, n_samples, 1)
    px_scale = jnp.full_like(px_loc, P_SCALE)
    # diagnostics (no_grad in torch)
    prior_kl = _kldiv(log_theta, log_theta_opt).mean()
    log_p_x_z = _normal_logprob(x[:, None, :], p_mu[None, :, :], P_SCALE).sum(-1)  # (B, C)
    true_logits = jax.nn.log_softmax(log_theta_opt.sum(1) + log_p_x_z, axis=-1)
    posterior_kl = _kldiv(qz_logits, true_logits).mean()

    def _log_prob(prior):
        return jax.scipy.special.logsumexp(jax.nn.log_softmax(prior, axis=-1)[None, :, :] + log_p_x_z[None, :, :], axis=-1)

    logp_true = _log_prob(log_theta_opt).mean()
    logp_model = _log_prob(log_theta).mean()
    return (px_loc, px_scale, idx, log_s, qz_logits, pz_logits,
            prior_kl, posterior_kl, logp_true, logp_model)

if __name__ == "__main__":
    import jax
    _d = setup_inputs()
    print(jax.jit(kernel)(*tuple(_d.values())))

</pallas_src>

<mosaic_0001>
#map = affine_map<(d0, d1) -> (0)>
module attributes {stable_mosaic.version = 14 : i64} {
  func.func @sc_kernel(%arg0: i32, %arg1: i32, %arg2: memref<65536xi32, #tpu.memory_space<hbm>>, %arg3: memref<1024xf32, #tpu.memory_space<hbm>>, %arg4: memref<1024xf32, #tpu.memory_space<hbm>>, %arg5: memref<65536xf32, #tpu.memory_space<hbm>>, %arg6: memref<65536xf32, #tpu.memory_space<hbm>>, %arg7: memref<2048xi32, #tpu.memory_space<vmem>>, %arg8: memref<1024xf32, #tpu.memory_space<vmem>>, %arg9: memref<1024xf32, #tpu.memory_space<vmem>>, %arg10: memref<2048xf32, #tpu.memory_space<vmem>>, %arg11: memref<2048xf32, #tpu.memory_space<vmem>>) attributes {dimension_semantics = [#tpu.dimension_semantics<core_parallel>, #tpu.dimension_semantics<subcore_parallel>], iteration_bounds = array<i64: 2, 16>, scalar_prefetch = 0 : i64, scratch_operands = 5 : i64, tpu.core_type = #tpu.core_type<sc_vector_subcore>, window_params = [{transform_indices = #map}, {transform_indices = #map}, {transform_indices = #map}, {transform_indices = #map}, {transform_indices = #map}]} {
    %mul3A = arith.constant 2 : i32
    %mul3A_0 = arith.muli %arg1, %mul3A : i32
    %add3A = arith.addi %mul3A_0, %arg0 : i32
    %mul3A_1 = arith.constant 2048 : i32
    %mul3A_2 = arith.muli %add3A, %mul3A_1 : i32
    "tpu.region"() ({
      %run_scoped3A = tpu.sem_alloc : memref<!tpu.dma_semaphore, #tpu.memory_space<semaphore_mem>>
      %dma_start3A = tpu.memref_slice %arg2[%mul3A_2] : memref<65536xi32, #tpu.memory_space<hbm>> -> memref<2048xi32, #tpu.memory_space<hbm>>
      %dma_start3A_8 = tpu.memref_slice %arg2[%mul3A_2] : memref<65536xi32, #tpu.memory_space<hbm>> -> memref<2048xi32, #tpu.memory_space<hbm>>
      tpu.enqueue_dma source(%dma_start3A_8 : memref<2048xi32, #tpu.memory_space<hbm>>) target(%arg7 : memref<2048xi32, #tpu.memory_space<vmem>>) target_semaphore(%run_scoped3A : memref<!tpu.dma_semaphore, #tpu.memory_space<semaphore_mem>>)
      %dma_wait3A = tpu.memref_slice %arg2[%mul3A_2] : memref<65536xi32, #tpu.memory_space<hbm>> -> memref<2048xi32, #tpu.memory_space<hbm>>
      %dma_wait3A_9 = tpu.memref_slice %arg2[%mul3A_2] : memref<65536xi32, #tpu.memory_space<hbm>> -> memref<2048xi32, #tpu.memory_space<hbm>>
      tpu.wait_dma2 semaphore(%run_scoped3A : memref<!tpu.dma_semaphore, #tpu.memory_space<semaphore_mem>>) src(%dma_wait3A_9 : memref<2048xi32, #tpu.memory_space<hbm>>) dst(%arg7 : memref<2048xi32, #tpu.memory_space<vmem>>)
      tpu.yield
    }) : () -> ()
    "tpu.region"() ({
      %run_scoped3A = tpu.sem_alloc : memref<!tpu.dma_semaphore, #tpu.memory_space<semaphore_mem>>
      tpu.enqueue_dma source(%arg3 : memref<1024xf32, #tpu.memory_space<hbm>>) target(%arg8 : memref<1024xf32, #tpu.memory_space<vmem>>) target_semaphore(%run_scoped3A : memref<!tpu.dma_semaphore, #tpu.memory_space<semaphore_mem>>)
      tpu.wait_dma2 semaphore(%run_scoped3A : memref<!tpu.dma_semaphore, #tpu.memory_space<semaphore_mem>>) src(%arg3 : memref<1024xf32, #tpu.memory_space<hbm>>) dst(%arg8 : memref<1024xf32, #tpu.memory_space<vmem>>)
      tpu.yield
    }) : () -> ()
    "tpu.region"() ({
      %run_scoped3A = tpu.sem_alloc : memref<!tpu.dma_semaphore, #tpu.memory_space<semaphore_mem>>
      tpu.enqueue_dma source(%arg4 : memref<1024xf32, #tpu.memory_space<hbm>>) target(%arg9 : memref<1024xf32, #tpu.memory_space<vmem>>) target_semaphore(%run_scoped3A : memref<!tpu.dma_semaphore, #tpu.memory_space<semaphore_mem>>)
      tpu.wait_dma2 semaphore(%run_scoped3A : memref<!tpu.dma_semaphore, #tpu.memory_space<semaphore_mem>>) src(%arg4 : memref<1024xf32, #tpu.memory_space<hbm>>) dst(%arg9 : memref<1024xf32, #tpu.memory_space<vmem>>)
      tpu.yield
    }) : () -> ()
    %scan3A = arith.constant 0 : i32
    %scan3A_3 = arith.constant 0 : i32
    %scan3A_4 = arith.constant 128 : i32
    %scan3A_5 = arith.addi %scan3A_3, %scan3A_4 : i32
    %scan3A_6 = arith.constant 1 : i32
    scf.for %scan3A_8 = %scan3A_3 to %scan3A_5 step %scan3A_6  : i32 {
      %mul3A_9 = arith.constant 16 : i32
      %mul3A_10 = arith.muli %scan3A_8, %mul3A_9 : i32
      %get3A = arith.index_cast %mul3A_10 : i32 to index
      %get3A_11 = tpu.vector_load %arg7[%get3A] {strides = array<i32>} : memref<2048xi32, #tpu.memory_space<vmem>>, vector<16xi32>,
      %gather3A = tpu.vector_load_idx %arg8[%get3A_11] : memref<1024xf32, #tpu.memory_space<vmem>>[vector<16xi32>], vector<16xf32>,
      %swap3A = arith.index_cast %mul3A_10 : i32 to index
      %swap3A_12 = tpu.vector_load %arg10[%swap3A] {strides = array<i32>} : memref<2048xf32, #tpu.memory_space<vmem>>, vector<16xf32>,
      tpu.vector_store %arg10[%swap3A], %gather3A {strides = array<i32>} : memref<2048xf32, #tpu.memory_space<vmem>>, vector<16xf32>,
      %gather3A_13 = tpu.vector_load_idx %arg9[%get3A_11] : memref<1024xf32, #tpu.memory_space<vmem>>[vector<16xi32>], vector<16xf32>,
      %swap3A_14 = arith.index_cast %mul3A_10 : i32 to index
      %swap3A_15 = tpu.vector_load %arg11[%swap3A_14] {strides = array<i32>} : memref<2048xf32, #tpu.memory_space<vmem>>, vector<16xf32>,
      tpu.vector_store %arg11[%swap3A_14], %gather3A_13 {strides = array<i32>} : memref<2048xf32, #tpu.memory_space<vmem>>, vector<16xf32>,
    }
    %scan3A_7 = arith.constant 128 : i32
    "tpu.region"() ({
      %run_scoped3A = tpu.sem_alloc : memref<!tpu.dma_semaphore, #tpu.memory_space<semaphore_mem>>
      %dma_start3A = tpu.memref_slice %arg5[%mul3A_2] : memref<65536xf32, #tpu.memory_space<hbm>> -> memref<2048xf32, #tpu.memory_space<hbm>>
      %dma_start3A_8 = tpu.memref_slice %arg5[%mul3A_2] : memref<65536xf32, #tpu.memory_space<hbm>> -> memref<2048xf32, #tpu.memory_space<hbm>>
      tpu.enqueue_dma source(%arg10 : memref<2048xf32, #tpu.memory_space<vmem>>) target(%dma_start3A_8 : memref<2048xf32, #tpu.memory_space<hbm>>) target_semaphore(%run_scoped3A : memref<!tpu.dma_semaphore, #tpu.memory_space<semaphore_mem>>)
      %dma_wait3A = tpu.memref_slice %arg5[%mul3A_2] : memref<65536xf32, #tpu.memory_space<hbm>> -> memref<2048xf32, #tpu.memory_space<hbm>>
      %dma_wait3A_9 = tpu.memref_slice %arg5[%mul3A_2] : memref<65536xf32, #tpu.memory_space<hbm>> -> memref<2048xf32, #tpu.memory_space<hbm>>
      tpu.wait_dma2 semaphore(%run_scoped3A : memref<!tpu.dma_semaphore, #tpu.memory_space<semaphore_mem>>) src(%arg10 : memref<2048xf32, #tpu.memory_space<vmem>>) dst(%dma_wait3A_9 : memref<2048xf32, #tpu.memory_space<hbm>>)
      tpu.yield
    }) : () -> ()
    "tpu.region"() ({
      %run_scoped3A = tpu.sem_alloc : memref<!tpu.dma_semaphore, #tpu.memory_space<semaphore_mem>>
      %dma_start3A = tpu.memref_slice %arg6[%mul3A_2] : memref<65536xf32, #tpu.memory_space<hbm>> -> memref<2048xf32, #tpu.memory_space<hbm>>
      %dma_start3A_8 = tpu.memref_slice %arg6[%mul3A_2] : memref<65536xf32, #tpu.memory_space<hbm>> -> memref<2048xf32, #tpu.memory_space<hbm>>
      tpu.enqueue_dma source(%arg11 : memref<2048xf32, #tpu.memory_space<vmem>>) target(%dma_start3A_8 : memref<2048xf32, #tpu.memory_space<hbm>>) target_semaphore(%run_scoped3A : memref<!tpu.dma_semaphore, #tpu.memory_space<semaphore_mem>>)
      %dma_wait3A = tpu.memref_slice %arg6[%mul3A_2] : memref<65536xf32, #tpu.memory_space<hbm>> -> memref<2048xf32, #tpu.memory_space<hbm>>
      %dma_wait3A_9 = tpu.memref_slice %arg6[%mul3A_2] : memref<65536xf32, #tpu.memory_space<hbm>> -> memref<2048xf32, #tpu.memory_space<hbm>>
      tpu.wait_dma2 semaphore(%run_scoped3A : memref<!tpu.dma_semaphore, #tpu.memory_space<semaphore_mem>>) src(%arg11 : memref<2048xf32, #tpu.memory_space<vmem>>) dst(%dma_wait3A_9 : memref<2048xf32, #tpu.memory_space<hbm>>)
      tpu.yield
    }) : () -> ()
    return
  }
}

module attributes {stable_mosaic.version = 14 : i64} {
  func.func @_tc_body(%arg0: i32, %arg1: memref<128x1xf32, #tpu.memory_space<vmem>>, %arg2: memref<8x1024xf32, #tpu.memory_space<vmem>>, %arg3: memref<8x16xf32, #tpu.memory_space<vmem>>, %arg4: memref<16x1024xf32, #tpu.memory_space<vmem>>, %arg5: memref<1024x1024xi32, #tpu.memory_space<vmem>>, %arg6: memref<128x1024xf32, #tpu.memory_space<vmem>>, %arg7: memref<128x1024xf32, #tpu.memory_space<vmem>>, %arg8: memref<128x8xi32, #tpu.memory_space<vmem>>, %arg9: memref<1x1xf32, #tpu.memory_space<smem>>, %arg10: memref<1x1xf32, #tpu.memory_space<smem>>, %arg11: memref<1x1xf32, #tpu.memory_space<smem>>, %arg12: memref<1x1xf32, #tpu.memory_space<smem>>) attributes {dimension_semantics = [#tpu.dimension_semantics<arbitrary>], iteration_bounds = array<i64: 64>, scalar_prefetch = 0 : i64, scratch_operands = 0 : i64, tpu.core_type = #tpu.core_type<tc>, window_params = [{transform_indices = @transform_0, window_bounds = array<i64: 128, 1>}, {pipeline_mode = #tpu.pipeline_mode<synchronous>, transform_indices = @transform_1, window_bounds = array<i64: 8, 1024>}, {pipeline_mode = #tpu.pipeline_mode<synchronous>, transform_indices = @transform_2, window_bounds = array<i64: 8, 16>}, {pipeline_mode = #tpu.pipeline_mode<synchronous>, transform_indices = @transform_3, window_bounds = array<i64: 16, 1024>}, {pipeline_mode = #tpu.pipeline_mode<synchronous>, transform_indices = @transform_4, window_bounds = array<i64: 1024, 1024>}, {transform_indices = @transform_5, window_bounds = array<i64: 128, 1024>}, {transform_indices = @transform_6, window_bounds = array<i64: 128, 1024>}, {transform_indices = @transform_7, window_bounds = array<i64: 128, 8>}, {transform_indices = @transform_8, window_bounds = array<i64: 1, 1>}, {transform_indices = @transform_9, window_bounds = array<i64: 1, 1>}, {transform_indices = @transform_10, window_bounds = array<i64: 1, 1>}, {transform_indices = @transform_11, window_bounds = array<i64: 1, 1>}]} {
    %get3A = arith.constant 0 : index
    %get3A_0 = arith.constant 0 : index
    %get3A_1 = vector.load %arg1[%get3A, %get3A_0] : memref<128x1xf32, #tpu.memory_space<vmem>>, vector<128x1xf32>
    %get3A_2 = arith.constant 0 : index
    %get3A_3 = arith.constant 0 : index
    %get3A_4 = vector.load %arg2[%get3A_2, %get3A_3] : memref<8x1024xf32, #tpu.memory_space<vmem>>, vector<1x1024xf32>
    %get3A_5 = arith.constant 1 : index
    %get3A_6 = arith.constant 0 : index
    %get3A_7 = vector.load %arg2[%get3A_5, %get3A_6] : memref<8x1024xf32, #tpu.memory_space<vmem>>, vector<1x1024xf32>
    %get3A_8 = arith.constant 2 : index
    %get3A_9 = arith.constant 0 : index
    %get3A_10 = vector.load %arg2[%get3A_8, %get3A_9] : memref<8x1024xf32, #tpu.memory_space<vmem>>, vector<1x1024xf32>
    %get3A_11 = arith.constant 3 : index
    %get3A_12 = arith.constant 0 : index
    %get3A_13 = vector.load %arg2[%get3A_11, %get3A_12] : memref<8x1024xf32, #tpu.memory_space<vmem>>, vector<1x1024xf32>
    %get3A_14 = arith.constant 0 : index
    %get3A_15 = arith.constant 0 : index
    %get3A_16 = vector.load %arg3[%get3A_14, %get3A_15] : memref<8x16xf32, #tpu.memory_space<vmem>>, vector<1x16xf32>
    %get3A_17 = arith.constant 1 : index
    %get3A_18 = arith.constant 0 : index
    %get3A_19 = vector.load %arg3[%get3A_17, %get3A_18] : memref<8x16xf32, #tpu.memory_space<vmem>>, vector<1x16xf32>
    %mul3A = vector.broadcast %get3A_1 : vector<128x1xf32> to vector<128x16xf32>
    %mul3A_20 = vector.broadcast %get3A_16 : vector<1x16xf32> to vector<128x16xf32>
    %mul3A_21 = arith.mulf %mul3A, %mul3A_20 : vector<128x16xf32>
    %add3A = vector.broadcast %get3A_19 : vector<1x16xf32> to vector<128x16xf32>
    %add3A_22 = arith.addf %mul3A_21, %add3A : vector<128x16xf32>
    %tanh3A = math.tanh %add3A_22 : vector<128x16xf32>
    %get3A_23 = arith.constant 0 : index
    %get3A_24 = arith.constant 0 : index
    %get3A_25 = vector.load %arg4[%get3A_23, %get3A_24] : memref<16x1024xf32, #tpu.memory_space<vmem>>, vector<16x1024xf32>
    %dot_general3A = arith.constant dense<0.000000e+00> : vector<128x1024xf32>
    %dot_general3A_26 = tpu.matmul %tanh3A, %get3A_25, %dot_general3A {dimension_numbers = #tpu.dot_dimension_numbers<[1], [0], [0], [1], [0, 0, 1, 1], [], []>, precision = #tpu.contract_precision<fp32>, transpose_lhs_hint = false} : vector<128x16xf32>, vector<16x1024xf32>, vector<128x1024xf32> -> vector<128x1024xf32>
    %add3A_27 = vector.broadcast %get3A_13 : vector<1x1024xf32> to vector<128x1024xf32>
    %add3A_28 = arith.addf %dot_general3A_26, %add3A_27 : vector<128x1024xf32>
    %reduce_max3A = arith.constant dense<0xFF800000> : vector<128xf32>
    %reduce_max3A_29 = vector.multi_reduction <maximumf>, %add3A_28, %reduce_max3A [1] : vector<128x1024xf32> to vector<128xf32>
    %broadcast_in_dim3A = vector.shape_cast %reduce_max3A_29 : vector<128xf32> to vector<128x1xf32>
    %sub3A = vector.broadcast %broadcast_in_dim3A : vector<128x1xf32> to vector<128x1024xf32>
    %sub3A_30 = arith.subf %add3A_28, %sub3A : vector<128x1024xf32>
    %exp3A = math.exp %sub3A_30 : vector<128x1024xf32>
    %reduce_sum3A = arith.constant dense<0.000000e+00> : vector<128xf32>
    %reduce_sum3A_31 = vector.multi_reduction <add>, %exp3A, %reduce_sum3A [1] : vector<128x1024xf32> to vector<128xf32>
    %broadcast_in_dim3A_32 = vector.shape_cast %reduce_sum3A_31 : vector<128xf32> to vector<128x1xf32>
    %log3A = math.log %broadcast_in_dim3A_32 : vector<128x1xf32>
    %sub3A_33 = vector.broadcast %log3A : vector<128x1xf32> to vector<128x1024xf32>
    %sub3A_34 = arith.subf %sub3A_30, %sub3A_33 : vector<128x1024xf32>
    %swap3A = arith.constant 0 : index
    %swap3A_35 = arith.constant 0 : index
    %swap3A_36 = vector.load %arg6[%swap3A, %swap3A_35] : memref<128x1024xf32, #tpu.memory_space<vmem>>, vector<128x1024xf32>
    tpu.vector_store %arg6[%swap3A, %swap3A_35], %sub3A_34 {strides = array<i32>} : memref<128x1024xf32, #tpu.memory_space<vmem>>, vector<128x1024xf32>,
    %broadcast_in_dim3A_37 = vector.shape_cast %get3A_4 : vector<1x1024xf32> to vector<1x1024xf32>
    %broadcast_in_dim3A_38 = vector.broadcast %broadcast_in_dim3A_37 : vector<1x1024xf32> to vector<128x1024xf32>
    %swap3A_39 = arith.constant 0 : index
    %swap3A_40 = arith.constant 0 : index
    %swap3A_41 = vector.load %arg7[%swap3A_39, %swap3A_40] : memref<128x1024xf32, #tpu.memory_space<vmem>>, vector<128x1024xf32>
    tpu.vector_store %arg7[%swap3A_39, %swap3A_40], %broadcast_in_dim3A_38 {strides = array<i32>} : memref<128x1024xf32, #tpu.memory_space<vmem>>, vector<128x1024xf32>,
    %sub3A_42 = vector.broadcast %get3A_1 : vector<128x1xf32> to vector<128x1024xf32>
    %sub3A_43 = vector.broadcast %get3A_7 : vector<1x1024xf32> to vector<128x1024xf32>
    %sub3A_44 = arith.subf %sub3A_42, %sub3A_43 : vector<128x1024xf32>
    %div3A = arith.constant 5.000000e+00 : f32
    %div3A_45 = vector.broadcast %div3A : f32 to vector<128x1024xf32>
    %div3A_46 = arith.divf %sub3A_44, %div3A_45 : vector<128x1024xf32>
    %integer_pow3A = arith.mulf %div3A_46, %div3A_46 : vector<128x1024xf32>
    %mul3A_47 = arith.constant -5.000000e-01 : f32
    %mul3A_48 = vector.broadcast %mul3A_47 : f32 to vector<128x1024xf32>
    %mul3A_49 = arith.mulf %mul3A_48, %integer_pow3A : vector<128x1024xf32>
    %add3A_50 = arith.constant -2.52837634 : f32
    %add3A_51 = vector.broadcast %add3A_50 : f32 to vector<128x1024xf32>
    %add3A_52 = arith.addf %mul3A_49, %add3A_51 : vector<128x1024xf32>
    %reduce_sum3A_53 = vector.shape_cast %get3A_10 : vector<1x1024xf32> to vector<1x1x1024xf32>
    %reduce_sum3A_54 = arith.constant dense<0.000000e+00> : vector<1xf32>
    %reduce_sum3A_55 = vector.multi_reduction <add>, %reduce_sum3A_53, %reduce_sum3A_54 [1, 2] : vector<1x1x1024xf32> to vector<1xf32>
    %reduce_sum3A_56 = vector.shape_cast %reduce_sum3A_55 : vector<1xf32> to vector<1x1x1xf32>
    %reduce_sum3A_57 = vector.extract %reduce_sum3A_56[0, 0, 0] : f32 from vector<1x1x1xf32>
    %add3A_58 = vector.broadcast %reduce_sum3A_57 : f32 to vector<128x1024xf32>
    %add3A_59 = arith.addf %add3A_52, %add3A_58 : vector<128x1024xf32>
    %reduce_max3A_60 = arith.constant dense<0xFF800000> : vector<128xf32>
    %reduce_max3A_61 = vector.multi_reduction <maximumf>, %add3A_59, %reduce_max3A_60 [1] : vector<128x1024xf32> to vector<128xf32>
    %broadcast_in_dim3A_62 = vector.shape_cast %reduce_max3A_61 : vector<128xf32> to vector<128x1xf32>
    %sub3A_63 = vector.broadcast %broadcast_in_dim3A_62 : vector<128x1xf32> to vector<128x1024xf32>
    %sub3A_64 = arith.subf %add3A_59, %sub3A_63 : vector<128x1024xf32>
    %exp3A_65 = math.exp %sub3A_64 : vector<128x1024xf32>
    %reduce_sum3A_66 = arith.constant dense<0.000000e+00> : vector<128xf32>
    %reduce_sum3A_67 = vector.multi_reduction <add>, %exp3A_65, %reduce_sum3A_66 [1] : vector<128x1024xf32> to vector<128xf32>
    %broadcast_in_dim3A_68 = vector.shape_cast %reduce_sum3A_67 : vector<128xf32> to vector<128x1xf32>
    %log3A_69 = math.log %broadcast_in_dim3A_68 : vector<128x1xf32>
    %sub3A_70 = vector.broadcast %log3A_69 : vector<128x1xf32> to vector<128x1024xf32>
    %sub3A_71 = arith.subf %sub3A_64, %sub3A_70 : vector<128x1024xf32>
    %exp3A_72 = math.exp %sub3A_34 : vector<128x1024xf32>
    %sub3A_73 = arith.subf %sub3A_34, %sub3A_71 : vector<128x1024xf32>
    %mul3A_74 = arith.mulf %exp3A_72, %sub3A_73 : vector<128x1024xf32>
    %reduce_sum3A_75 = vector.shape_cast %mul3A_74 : vector<128x1024xf32> to vector<1x128x1024xf32>
    %reduce_sum3A_76 = arith.constant dense<0.000000e+00> : vector<1xf32>
    %reduce_sum3A_77 = vector.multi_reduction <add>, %reduce_sum3A_75, %reduce_sum3A_76 [1, 2] : vector<1x128x1024xf32> to vector<1xf32>
    %reduce_sum3A_78 = vector.shape_cast %reduce_sum3A_77 : vector<1xf32> to vector<1x1x1xf32>
    %reduce_sum3A_79 = vector.extract %reduce_sum3A_78[0, 0, 0] : f32 from vector<1x1x1xf32>
    %reduce_max3A_80 = arith.constant dense<0xFF800000> : vector<1xf32>
    %reduce_max3A_81 = vector.multi_reduction <maximumf>, %get3A_10, %reduce_max3A_80 [1] : vector<1x1024xf32> to vector<1xf32>
    %broadcast_in_dim3A_82 = vector.shape_cast %reduce_max3A_81 : vector<1xf32> to vector<1x1xf32>
    %sub3A_83 = vector.broadcast %broadcast_in_dim3A_82 : vector<1x1xf32> to vector<1x1024xf32>
    %sub3A_84 = arith.subf %get3A_10, %sub3A_83 : vector<1x1024xf32>
    %exp3A_85 = math.exp %sub3A_84 : vector<1x1024xf32>
    %reduce_sum3A_86 = arith.constant dense<0.000000e+00> : vector<1xf32>
    %reduce_sum3A_87 = vector.multi_reduction <add>, %exp3A_85, %reduce_sum3A_86 [1] : vector<1x1024xf32> to vector<1xf32>
    %broadcast_in_dim3A_88 = vector.shape_cast %reduce_sum3A_87 : vector<1xf32> to vector<1x1xf32>
    %log3A_89 = math.log %broadcast_in_dim3A_88 : vector<1x1xf32>
    %sub3A_90 = vector.broadcast %log3A_89 : vector<1x1xf32> to vector<1x1024xf32>
    %sub3A_91 = arith.subf %sub3A_84, %sub3A_90 : vector<1x1024xf32>
    %add3A_92 = vector.broadcast %sub3A_91 : vector<1x1024xf32> to vector<128x1024xf32>
    %add3A_93 = arith.addf %add3A_92, %add3A_52 : vector<128x1024xf32>
    %reduce_max3A_94 = arith.constant dense<0xFF800000> : vector<128xf32>
    %reduce_max3A_95 = vector.multi_reduction <maximumf>, %add3A_93, %reduce_max3A_94 [1] : vector<128x1024xf32> to vector<128xf32>
    %broadcast_in_dim3A_96 = vector.shape_cast %reduce_max3A_95 : vector<128xf32> to vector<128x1xf32>
    %reduce_sum3A_97 = vector.shape_cast %broadcast_in_dim3A_96 : vector<128x1xf32> to vector<1x128x1xf32>
    %reduce_sum3A_98 = arith.constant dense<0.000000e+00> : vector<1xf32>
    %reduce_sum3A_99 = vector.multi_reduction <add>, %reduce_sum3A_97, %reduce_sum3A_98 [1, 2] : vector<1x128x1xf32> to vector<1xf32>
    %reduce_sum3A_100 = vector.shape_cast %reduce_sum3A_99 : vector<1xf32> to vector<1x1x1xf32>
    %reduce_sum3A_101 = vector.extract %reduce_sum3A_100[0, 0, 0] : f32 from vector<1x1x1xf32>
    %sub3A_102 = vector.broadcast %broadcast_in_dim3A_96 : vector<128x1xf32> to vector<128x1024xf32>
    %sub3A_103 = arith.subf %add3A_93, %sub3A_102 : vector<128x1024xf32>
    %exp3A_104 = math.exp %sub3A_103 : vector<128x1024xf32>
    %reduce_sum3A_105 = arith.constant dense<0.000000e+00> : vector<128xf32>
    %reduce_sum3A_106 = vector.multi_reduction <add>, %exp3A_104, %reduce_sum3A_105 [1] : vector<128x1024xf32> to vector<128xf32>
    %log3A_107 = math.log %reduce_sum3A_106 : vector<128xf32>
    %reduce_sum3A_108 = vector.shape_cast %log3A_107 : vector<128xf32> to vector<1x128xf32>
    %reduce_sum3A_109 = arith.constant dense<0.000000e+00> : vector<1xf32>
    %reduce_sum3A_110 = vector.multi_reduction <add>, %reduce_sum3A_108, %reduce_sum3A_109 [1] : vector<1x128xf32> to vector<1xf32>
    %reduce_sum3A_111 = vector.shape_cast %reduce_sum3A_110 : vector<1xf32> to vector<1x1xf32>
    %reduce_sum3A_112 = vector.extract %reduce_sum3A_111[0, 0] : f32 from vector<1x1xf32>
    %add3A_113 = arith.addf %reduce_sum3A_101, %reduce_sum3A_112 : f32
    %add3A_114 = vector.broadcast %get3A_4 : vector<1x1024xf32> to vector<128x1024xf32>
    %add3A_115 = arith.addf %add3A_114, %add3A_52 : vector<128x1024xf32>
    %reduce_max3A_116 = arith.constant dense<0xFF800000> : vector<128xf32>
    %reduce_max3A_117 = vector.multi_reduction <maximumf>, %add3A_115, %reduce_max3A_116 [1] : vector<128x1024xf32> to vector<128xf32>
    %broadcast_in_dim3A_118 = vector.shape_cast %reduce_max3A_117 : vector<128xf32> to vector<128x1xf32>
    %reduce_sum3A_119 = vector.shape_cast %broadcast_in_dim3A_118 : vector<128x1xf32> to vector<1x128x1xf32>
    %reduce_sum3A_120 = arith.constant dense<0.000000e+00> : vector<1xf32>
    %reduce_sum3A_121 = vector.multi_reduction <add>, %reduce_sum3A_119, %reduce_sum3A_120 [1, 2] : vector<1x128x1xf32> to vector<1xf32>
    %reduce_sum3A_122 = vector.shape_cast %reduce_sum3A_121 : vector<1xf32> to vector<1x1x1xf32>
    %reduce_sum3A_123 = vector.extract %reduce_sum3A_122[0, 0, 0] : f32 from vector<1x1x1xf32>
    %sub3A_124 = vector.broadcast %broadcast_in_dim3A_118 : vector<128x1xf32> to vector<128x1024xf32>
    %sub3A_125 = arith.subf %add3A_115, %sub3A_124 : vector<128x1024xf32>
    %exp3A_126 = math.exp %sub3A_125 : vector<128x1024xf32>
    %reduce_sum3A_127 = arith.constant dense<0.000000e+00> : vector<128xf32>
    %reduce_sum3A_128 = vector.multi_reduction <add>, %exp3A_126, %reduce_sum3A_127 [1] : vector<128x1024xf32> to vector<128xf32>
    %log3A_129 = math.log %reduce_sum3A_128 : vector<128xf32>
    %reduce_sum3A_130 = vector.shape_cast %log3A_129 : vector<128xf32> to vector<1x128xf32>
    %reduce_sum3A_131 = arith.constant dense<0.000000e+00> : vector<1xf32>
    %reduce_sum3A_132 = vector.multi_reduction <add>, %reduce_sum3A_130, %reduce_sum3A_131 [1] : vector<1x128xf32> to vector<1xf32>
    %reduce_sum3A_133 = vector.shape_cast %reduce_sum3A_132 : vector<1xf32> to vector<1x1xf32>
    %reduce_sum3A_134 = vector.extract %reduce_sum3A_133[0, 0] : f32 from vector<1x1xf32>
    %add3A_135 = arith.addf %reduce_sum3A_123, %reduce_sum3A_134 : f32
    %eq3A = arith.constant 63 : i32
    %eq3A_136 = arith.cmpi eq, %arg0, %eq3A : i32
    %eq3A_137 = arith.constant 0 : i32
    %eq3A_138 = arith.cmpi eq, %arg0, %eq3A_137 : i32
    %get3A_139 = arith.constant 0 : index
    %get3A_140 = arith.constant 0 : index
    %get3A_141 = memref.load %arg9[%get3A_139, %get3A_140] : memref<1x1xf32, #tpu.memory_space<smem>>
    %add3A_142 = arith.addf %get3A_141, %reduce_sum3A_79 : f32
    %select_n3A = arith.select %eq3A_138, %reduce_sum3A_79, %add3A_142 : f32
    %mul3A_143 = arith.constant 1.22070313E-4 : f32
    %mul3A_144 = arith.mulf %select_n3A, %mul3A_143 : f32
    %select_n3A_145 = arith.select %eq3A_136, %mul3A_144, %select_n3A : f32
    %swap3A_146 = arith.constant 0 : index
    %swap3A_147 = arith.constant 0 : index
    %swap3A_148 = memref.load %arg9[%swap3A_146, %swap3A_147] : memref<1x1xf32, #tpu.memory_space<smem>>
    memref.store %select_n3A_145, %arg9[%swap3A_146, %swap3A_147] : memref<1x1xf32, #tpu.memory_space<smem>>
    %eq3A_149 = arith.constant 0 : i32
    %eq3A_150 = arith.cmpi eq, %arg0, %eq3A_149 : i32
    %get3A_151 = arith.constant 0 : index
    %get3A_152 = arith.constant 0 : index
    %get3A_153 = memref.load %arg10[%get3A_151, %get3A_152] : memref<1x1xf32, #tpu.memory_space<smem>>
    %add3A_154 = arith.addf %get3A_153, %add3A_113 : f32
    %select_n3A_155 = arith.select %eq3A_150, %add3A_113, %add3A_154 : f32
    %mul3A_156 = arith.constant 1.22070313E-4 : f32
    %mul3A_157 = arith.mulf %select_n3A_155, %mul3A_156 : f32
    %select_n3A_158 = arith.select %eq3A_136, %mul3A_157, %select_n3A_155 : f32
    %swap3A_159 = arith.constant 0 : index
    %swap3A_160 = arith.constant 0 : index
    %swap3A_161 = memref.load %arg10[%swap3A_159, %swap3A_160] : memref<1x1xf32, #tpu.memory_space<smem>>
    memref.store %select_n3A_158, %arg10[%swap3A_159, %swap3A_160] : memref<1x1xf32, #tpu.memory_space<smem>>
    %eq3A_162 = arith.constant 0 : i32
    %eq3A_163 = arith.cmpi eq, %arg0, %eq3A_162 : i32
    %get3A_164 = arith.constant 0 : index
    %get3A_165 = arith.constant 0 : index
    %get3A_166 = memref.load %arg11[%get3A_164, %get3A_165] : memref<1x1xf32, #tpu.memory_space<smem>>
    %add3A_167 = arith.addf %get3A_166, %add3A_135 : f32
    %select_n3A_168 = arith.select %eq3A_163, %add3A_135, %add3A_167 : f32
    %mul3A_169 = arith.constant 1.22070313E-4 : f32
    %mul3A_170 = arith.mulf %select_n3A_168, %mul3A_169 : f32
    %select_n3A_171 = arith.select %eq3A_136, %mul3A_170, %select_n3A_168 : f32
    %swap3A_172 = arith.constant 0 : index
    %swap3A_173 = arith.constant 0 : index
    %swap3A_174 = memref.load %arg11[%swap3A_172, %swap3A_173] : memref<1x1xf32, #tpu.memory_space<smem>>
    memref.store %select_n3A_171, %arg11[%swap3A_172, %swap3A_173] : memref<1x1xf32, #tpu.memory_space<smem>>
    %eq3A_175 = arith.constant 0 : i32
    %eq3A_176 = arith.cmpi eq, %arg0, %eq3A_175 : i32
    %convert_element_type3A = arith.extui %eq3A_176 : i1 to i32
    %cond3A = arith.constant 0 : i32
    %cond3A_177 = arith.cmpi ne, %convert_element_type3A, %cond3A : i32
    scf.if %cond3A_177 {
      %exp3A_1102 = math.exp %get3A_4 : vector<1x1024xf32>
      %sub3A_1103 = arith.subf %get3A_4, %sub3A_91 : vector<1x1024xf32>
      %mul3A_1104 = arith.mulf %exp3A_1102, %sub3A_1103 : vector<1x1024xf32>
      %reduce_sum3A_1105 = vector.shape_cast %mul3A_1104 : vector<1x1024xf32> to vector<1x1x1024xf32>
      %reduce_sum3A_1106 = arith.constant dense<0.000000e+00> : vector<1xf32>
      %reduce_sum3A_1107 = vector.multi_reduction <add>, %reduce_sum3A_1105, %reduce_sum3A_1106 [1, 2] : vector<1x1x1024xf32> to vector<1xf32>
      %reduce_sum3A_1108 = vector.shape_cast %reduce_sum3A_1107 : vector<1xf32> to vector<1x1x1xf32>
      %reduce_sum3A_1109 = vector.extract %reduce_sum3A_1108[0, 0, 0] : f32 from vector<1x1x1xf32>
      %swap3A_1110 = arith.constant 0 : index
      %swap3A_1111 = arith.constant 0 : index
      %swap3A_1112 = memref.load %arg12[%swap3A_1110, %swap3A_1111] : memref<1x1xf32, #tpu.memory_space<smem>>
      memref.store %reduce_sum3A_1109, %arg12[%swap3A_1110, %swap3A_1111] : memref<1x1xf32, #tpu.memory_space<smem>>
    } else {
    }
    %get3A_178 = arith.constant 4 : index
    %get3A_179 = arith.constant 0 : index
    %get3A_180 = vector.load %arg2[%get3A_178, %get3A_179] : memref<8x1024xf32, #tpu.memory_space<vmem>>, vector<1x1024xf32>
    %get3A_181 = arith.constant 0 : index
    %get3A_182 = arith.constant 0 : index
    %get3A_183 = vector.load %arg5[%get3A_181, %get3A_182] : memref<1024x1024xi32, #tpu.memory_space<vmem>>, vector<256x1024xi32>
    %mul3A_184 = arith.constant 1048576 : i32
    %mul3A_185 = arith.muli %arg0, %mul3A_184 : i32
    %add3A_186 = vector.broadcast %mul3A_185 : i32 to vector<256x1024xi32>
    %add3A_187 = arith.addi %get3A_183, %add3A_186 : vector<256x1024xi32>
    %shift_left3A = arith.constant 13 : i32
    %shift_left3A_188 = vector.broadcast %shift_left3A : i32 to vector<256x1024xi32>
    %shift_left3A_189 = arith.shli %add3A_187, %shift_left3A_188 : vector<256x1024xi32>
    %shift_right_logical3A = arith.constant 19 : i32
    %shift_right_logical3A_190 = vector.broadcast %shift_right_logical3A : i32 to vector<256x1024xi32>
    %shift_right_logical3A_191 = arith.shrui %add3A_187, %shift_right_logical3A_190 : vector<256x1024xi32>
    %or3A = arith.ori %shift_left3A_189, %shift_right_logical3A_191 : vector<256x1024xi32>
    %xor3A = arith.xori %add3A_187, %or3A : vector<256x1024xi32>
    %add3A_192 = arith.addi %add3A_187, %xor3A : vector<256x1024xi32>
    %shift_left3A_193 = arith.constant 15 : i32
    %shift_left3A_194 = vector.broadcast %shift_left3A_193 : i32 to vector<256x1024xi32>
    %shift_left3A_195 = arith.shli %xor3A, %shift_left3A_194 : vector<256x1024xi32>
    %shift_right_logical3A_196 = arith.constant 17 : i32
    %shift_right_logical3A_197 = vector.broadcast %shift_right_logical3A_196 : i32 to vector<256x1024xi32>
    %shift_right_logical3A_198 = arith.shrui %xor3A, %shift_right_logical3A_197 : vector<256x1024xi32>
    %or3A_199 = arith.ori %shift_left3A_195, %shift_right_logical3A_198 : vector<256x1024xi32>
    %xor3A_200 = arith.xori %add3A_192, %or3A_199 : vector<256x1024xi32>
    %add3A_201 = arith.addi %add3A_192, %xor3A_200 : vector<256x1024xi32>
    %shift_left3A_202 = arith.constant 26 : i32
    %shift_left3A_203 = vector.broadcast %shift_left3A_202 : i32 to vector<256x1024xi32>
    %shift_left3A_204 = arith.shli %xor3A_200, %shift_left3A_203 : vector<256x1024xi32>
    %shift_right_logical3A_205 = arith.constant 6 : i32
    %shift_right_logical3A_206 = vector.broadcast %shift_right_logical3A_205 : i32 to vector<256x1024xi32>
    %shift_right_logical3A_207 = arith.shrui %xor3A_200, %shift_right_logical3A_206 : vector<256x1024xi32>
    %or3A_208 = arith.ori %shift_left3A_204, %shift_right_logical3A_207 : vector<256x1024xi32>
    %xor3A_209 = arith.xori %add3A_201, %or3A_208 : vector<256x1024xi32>
    %add3A_210 = arith.addi %add3A_201, %xor3A_209 : vector<256x1024xi32>
    %shift_left3A_211 = arith.constant 6 : i32
    %shift_left3A_212 = vector.broadcast %shift_left3A_211 : i32 to vector<256x1024xi32>
    %shift_left3A_213 = arith.shli %xor3A_209, %shift_left3A_212 : vector<256x1024xi32>
    %shift_right_logical3A_214 = arith.constant 26 : i32
    %shift_right_logical3A_215 = vector.broadcast %shift_right_logical3A_214 : i32 to vector<256x1024xi32>
    %shift_right_logical3A_216 = arith.shrui %xor3A_209, %shift_right_logical3A_215 : vector<256x1024xi32>
    %or3A_217 = arith.ori %shift_left3A_213, %shift_right_logical3A_216 : vector<256x1024xi32>
    %xor3A_218 = arith.xori %add3A_210, %or3A_217 : vector<256x1024xi32>
    %add3A_219 = arith.constant 42 : i32
    %add3A_220 = vector.broadcast %add3A_219 : i32 to vector<256x1024xi32>
    %add3A_221 = arith.addi %add3A_210, %add3A_220 : vector<256x1024xi32>
    %add3A_222 = arith.constant 466689009 : i32
    %add3A_223 = vector.broadcast %add3A_222 : i32 to vector<256x1024xi32>
    %add3A_224 = arith.addi %xor3A_218, %add3A_223 : vector<256x1024xi32>
    %add3A_225 = arith.addi %add3A_221, %add3A_224 : vector<256x1024xi32>
    %shift_left3A_226 = arith.constant 17 : i32
    %shift_left3A_227 = vector.broadcast %shift_left3A_226 : i32 to vector<256x1024xi32>
    %shift_left3A_228 = arith.shli %add3A_224, %shift_left3A_227 : vector<256x1024xi32>
    %shift_right_logical3A_229 = arith.constant 15 : i32
    %shift_right_logical3A_230 = vector.broadcast %shift_right_logical3A_229 : i32 to vector<256x1024xi32>
    %shift_right_logical3A_231 = arith.shrui %add3A_224, %shift_right_logical3A_230 : vector<256x1024xi32>
    %or3A_232 = arith.ori %shift_left3A_228, %shift_right_logical3A_231 : vector<256x1024xi32>
    %xor3A_233 = arith.xori %add3A_225, %or3A_232 : vector<256x1024xi32>
    %add3A_234 = arith.addi %add3A_225, %xor3A_233 : vector<256x1024xi32>
    %shift_left3A_235 = arith.constant 29 : i32
    %shift_left3A_236 = vector.broadcast %shift_left3A_235 : i32 to vector<256x1024xi32>
    %shift_left3A_237 = arith.shli %xor3A_233, %shift_left3A_236 : vector<256x1024xi32>
    %shift_right_logical3A_238 = arith.constant 3 : i32
    %shift_right_logical3A_239 = vector.broadcast %shift_right_logical3A_238 : i32 to vector<256x1024xi32>
    %shift_right_logical3A_240 = arith.shrui %xor3A_233, %shift_right_logical3A_239 : vector<256x1024xi32>
    %or3A_241 = arith.ori %shift_left3A_237, %shift_right_logical3A_240 : vector<256x1024xi32>
    %xor3A_242 = arith.xori %add3A_234, %or3A_241 : vector<256x1024xi32>
    %add3A_243 = arith.addi %add3A_234, %xor3A_242 : vector<256x1024xi32>
    %shift_left3A_244 = arith.constant 16 : i32
    %shift_left3A_245 = vector.broadcast %shift_left3A_244 : i32 to vector<256x1024xi32>
    %shift_left3A_246 = arith.shli %xor3A_242, %shift_left3A_245 : vector<256x1024xi32>
    %shift_right_logical3A_247 = arith.constant 16 : i32
    %shift_right_logical3A_248 = vector.broadcast %shift_right_logical3A_247 : i32 to vector<256x1024xi32>
    %shift_right_logical3A_249 = arith.shrui %xor3A_242, %shift_right_logical3A_248 : vector<256x1024xi32>
    %or3A_250 = arith.ori %shift_left3A_246, %shift_right_logical3A_249 : vector<256x1024xi32>
    %xor3A_251 = arith.xori %add3A_243, %or3A_250 : vector<256x1024xi32>
    %add3A_252 = arith.addi %add3A_243, %xor3A_251 : vector<256x1024xi32>
    %shift_left3A_253 = arith.constant 24 : i32
    %shift_left3A_254 = vector.broadcast %shift_left3A_253 : i32 to vector<256x1024xi32>
    %shift_left3A_255 = arith.shli %xor3A_251, %shift_left3A_254 : vector<256x1024xi32>
    %shift_right_logical3A_256 = arith.constant 8 : i32
    %shift_right_logical3A_257 = vector.broadcast %shift_right_logical3A_256 : i32 to vector<256x1024xi32>
    %shift_right_logical3A_258 = arith.shrui %xor3A_251, %shift_right_logical3A_257 : vector<256x1024xi32>
    %or3A_259 = arith.ori %shift_left3A_255, %shift_right_logical3A_258 : vector<256x1024xi32>
    %xor3A_260 = arith.xori %add3A_252, %or3A_259 : vector<256x1024xi32>
    %add3A_261 = arith.constant 466689008 : i32
    %add3A_262 = vector.broadcast %add3A_261 : i32 to vector<256x1024xi32>
    %add3A_263 = arith.addi %add3A_252, %add3A_262 : vector<256x1024xi32>
    %add3A_264 = arith.constant 2 : i32
    %add3A_265 = vector.broadcast %add3A_264 : i32 to vector<256x1024xi32>
    %add3A_266 = arith.addi %xor3A_260, %add3A_265 : vector<256x1024xi32>
    %add3A_267 = arith.addi %add3A_263, %add3A_266 : vector<256x1024xi32>
    %shift_left3A_268 = arith.constant 13 : i32
    %shift_left3A_269 = vector.broadcast %shift_left3A_268 : i32 to vector<256x1024xi32>
    %shift_left3A_270 = arith.shli %add3A_266, %shift_left3A_269 : vector<256x1024xi32>
    %shift_right_logical3A_271 = arith.constant 19 : i32
    %shift_right_logical3A_272 = vector.broadcast %shift_right_logical3A_271 : i32 to vector<256x1024xi32>
    %shift_right_logical3A_273 = arith.shrui %add3A_266, %shift_right_logical3A_272 : vector<256x1024xi32>
    %or3A_274 = arith.ori %shift_left3A_270, %shift_right_logical3A_273 : vector<256x1024xi32>
    %xor3A_275 = arith.xori %add3A_267, %or3A_274 : vector<256x1024xi32>
    %add3A_276 = arith.addi %add3A_267, %xor3A_275 : vector<256x1024xi32>
    %shift_left3A_277 = arith.constant 15 : i32
    %shift_left3A_278 = vector.broadcast %shift_left3A_277 : i32 to vector<256x1024xi32>
    %shift_left3A_279 = arith.shli %xor3A_275, %shift_left3A_278 : vector<256x1024xi32>
    %shift_right_logical3A_280 = arith.constant 17 : i32
    %shift_right_logical3A_281 = vector.broadcast %shift_right_logical3A_280 : i32 to vector<256x1024xi32>
    %shift_right_logical3A_282 = arith.shrui %xor3A_275, %shift_right_logical3A_281 : vector<256x1024xi32>
    %or3A_283 = arith.ori %shift_left3A_279, %shift_right_logical3A_282 : vector<256x1024xi32>
    %xor3A_284 = arith.xori %add3A_276, %or3A_283 : vector<256x1024xi32>
    %add3A_285 = arith.addi %add3A_276, %xor3A_284 : vector<256x1024xi32>
    %shift_left3A_286 = arith.constant 26 : i32
    %shift_left3A_287 = vector.broadcast %shift_left3A_286 : i32 to vector<256x1024xi32>
    %shift_left3A_288 = arith.shli %xor3A_284, %shift_left3A_287 : vector<256x1024xi32>
    %shift_right_logical3A_289 = arith.constant 6 : i32
    %shift_right_logical3A_290 = vector.broadcast %shift_right_logical3A_289 : i32 to vector<256x1024xi32>
    %shift_right_logical3A_291 = arith.shrui %xor3A_284, %shift_right_logical3A_290 : vector<256x1024xi32>
    %or3A_292 = arith.ori %shift_left3A_288, %shift_right_logical3A_291 : vector<256x1024xi32>
    %xor3A_293 = arith.xori %add3A_285, %or3A_292 : vector<256x1024xi32>
    %add3A_294 = arith.addi %add3A_285, %xor3A_293 : vector<256x1024xi32>
    %shift_left3A_295 = arith.constant 6 : i32
    %shift_left3A_296 = vector.broadcast %shift_left3A_295 : i32 to vector<256x1024xi32>
    %shift_left3A_297 = arith.shli %xor3A_293, %shift_left3A_296 : vector<256x1024xi32>
    %shift_right_logical3A_298 = arith.constant 26 : i32
    %shift_right_logical3A_299 = vector.broadcast %shift_right_logical3A_298 : i32 to vector<256x1024xi32>
    %shift_right_logical3A_300 = arith.shrui %xor3A_293, %shift_right_logical3A_299 : vector<256x1024xi32>
    %or3A_301 = arith.ori %shift_left3A_297, %shift_right_logical3A_300 : vector<256x1024xi32>
    %xor3A_302 = arith.xori %add3A_294, %or3A_301 : vector<256x1024xi32>
    %add3A_303 = arith.constant 45 : i32
    %add3A_304 = vector.broadcast %add3A_303 : i32 to vector<256x1024xi32>
    %add3A_305 = arith.addi %xor3A_302, %add3A_304 : vector<256x1024xi32>
    %add3A_306 = arith.addi %add3A_294, %add3A_305 : vector<256x1024xi32>
    %shift_left3A_307 = arith.constant 17 : i32
    %shift_left3A_308 = vector.broadcast %shift_left3A_307 : i32 to vector<256x1024xi32>
    %shift_left3A_309 = arith.shli %add3A_305, %shift_left3A_308 : vector<256x1024xi32>
    %shift_right_logical3A_310 = arith.constant 15 : i32
    %shift_right_logical3A_311 = vector.broadcast %shift_right_logical3A_310 : i32 to vector<256x1024xi32>
    %shift_right_logical3A_312 = arith.shrui %add3A_305, %shift_right_logical3A_311 : vector<256x1024xi32>
    %or3A_313 = arith.ori %shift_left3A_309, %shift_right_logical3A_312 : vector<256x1024xi32>
    %xor3A_314 = arith.xori %add3A_306, %or3A_313 : vector<256x1024xi32>
    %add3A_315 = arith.addi %add3A_306, %xor3A_314 : vector<256x1024xi32>
    %shift_left3A_316 = arith.constant 29 : i32
    %shift_left3A_317 = vector.broadcast %shift_left3A_316 : i32 to vector<256x1024xi32>
    %shift_left3A_318 = arith.shli %xor3A_314, %shift_left3A_317 : vector<256x1024xi32>
    %shift_right_logical3A_319 = arith.constant 3 : i32
    %shift_right_logical3A_320 = vector.broadcast %shift_right_logical3A_319 : i32 to vector<256x1024xi32>
    %shift_right_logical3A_321 = arith.shrui %xor3A_314, %shift_right_logical3A_320 : vector<256x1024xi32>
    %or3A_322 = arith.ori %shift_left3A_318, %shift_right_logical3A_321 : vector<256x1024xi32>
    %xor3A_323 = arith.xori %add3A_315, %or3A_322 : vector<256x1024xi32>
    %add3A_324 = arith.addi %add3A_315, %xor3A_323 : vector<256x1024xi32>
    %shift_left3A_325 = arith.constant 16 : i32
    %shift_left3A_326 = vector.broadcast %shift_left3A_325 : i32 to vector<256x1024xi32>
    %shift_left3A_327 = arith.shli %xor3A_323, %shift_left3A_326 : vector<256x1024xi32>
    %shift_right_logical3A_328 = arith.constant 16 : i32
    %shift_right_logical3A_329 = vector.broadcast %shift_right_logical3A_328 : i32 to vector<256x1024xi32>
    %shift_right_logical3A_330 = arith.shrui %xor3A_323, %shift_right_logical3A_329 : vector<256x1024xi32>
    %or3A_331 = arith.ori %shift_left3A_327, %shift_right_logical3A_330 : vector<256x1024xi32>
    %xor3A_332 = arith.xori %add3A_324, %or3A_331 : vector<256x1024xi32>
    %add3A_333 = arith.addi %add3A_324, %xor3A_332 : vector<256x1024xi32>
    %shift_left3A_334 = arith.constant 24 : i32
    %shift_left3A_335 = vector.broadcast %shift_left3A_334 : i32 to vector<256x1024xi32>
    %shift_left3A_336 = arith.shli %xor3A_332, %shift_left3A_335 : vector<256x1024xi32>
    %shift_right_logical3A_337 = arith.constant 8 : i32
    %shift_right_logical3A_338 = vector.broadcast %shift_right_logical3A_337 : i32 to vector<256x1024xi32>
    %shift_right_logical3A_339 = arith.shrui %xor3A_332, %shift_right_logical3A_338 : vector<256x1024xi32>
    %or3A_340 = arith.ori %shift_left3A_336, %shift_right_logical3A_339 : vector<256x1024xi32>
    %xor3A_341 = arith.xori %add3A_333, %or3A_340 : vector<256x1024xi32>
    %add3A_342 = arith.constant 42 : i32
    %add3A_343 = vector.broadcast %add3A_342 : i32 to vector<256x1024xi32>
    %add3A_344 = arith.addi %add3A_333, %add3A_343 : vector<256x1024xi32>
    %add3A_345 = arith.constant 466689012 : i32
    %add3A_346 = vector.broadcast %add3A_345 : i32 to vector<256x1024xi32>
    %add3A_347 = arith.addi %xor3A_341, %add3A_346 : vector<256x1024xi32>
    %add3A_348 = arith.addi %add3A_344, %add3A_347 : vector<256x1024xi32>
    %shift_left3A_349 = arith.constant 13 : i32
    %shift_left3A_350 = vector.broadcast %shift_left3A_349 : i32 to vector<256x1024xi32>
    %shift_left3A_351 = arith.shli %add3A_347, %shift_left3A_350 : vector<256x1024xi32>
    %shift_right_logical3A_352 = arith.constant 19 : i32
    %shift_right_logical3A_353 = vector.broadcast %shift_right_logical3A_352 : i32 to vector<256x1024xi32>
    %shift_right_logical3A_354 = arith.shrui %add3A_347, %shift_right_logical3A_353 : vector<256x1024xi32>
    %or3A_355 = arith.ori %shift_left3A_351, %shift_right_logical3A_354 : vector<256x1024xi32>
    %xor3A_356 = arith.xori %add3A_348, %or3A_355 : vector<256x1024xi32>
    %add3A_357 = arith.addi %add3A_348, %xor3A_356 : vector<256x1024xi32>
    %shift_left3A_358 = arith.constant 15 : i32
    %shift_left3A_359 = vector.broadcast %shift_left3A_358 : i32 to vector<256x1024xi32>
    %shift_left3A_360 = arith.shli %xor3A_356, %shift_left3A_359 : vector<256x1024xi32>
    %shift_right_logical3A_361 = arith.constant 17 : i32
    %shift_right_logical3A_362 = vector.broadcast %shift_right_logical3A_361 : i32 to vector<256x1024xi32>
    %shift_right_logical3A_363 = arith.shrui %xor3A_356, %shift_right_logical3A_362 : vector<256x1024xi32>
    %or3A_364 = arith.ori %shift_left3A_360, %shift_right_logical3A_363 : vector<256x1024xi32>
    %xor3A_365 = arith.xori %add3A_357, %or3A_364 : vector<256x1024xi32>
    %add3A_366 = arith.addi %add3A_357, %xor3A_365 : vector<256x1024xi32>
    %shift_left3A_367 = arith.constant 26 : i32
    %shift_left3A_368 = vector.broadcast %shift_left3A_367 : i32 to vector<256x1024xi32>
    %shift_left3A_369 = arith.shli %xor3A_365, %shift_left3A_368 : vector<256x1024xi32>
    %shift_right_logical3A_370 = arith.constant 6 : i32
    %shift_right_logical3A_371 = vector.broadcast %shift_right_logical3A_370 : i32 to vector<256x1024xi32>
    %shift_right_logical3A_372 = arith.shrui %xor3A_365, %shift_right_logical3A_371 : vector<256x1024xi32>
    %or3A_373 = arith.ori %shift_left3A_369, %shift_right_logical3A_372 : vector<256x1024xi32>
    %xor3A_374 = arith.xori %add3A_366, %or3A_373 : vector<256x1024xi32>
    %add3A_375 = arith.addi %add3A_366, %xor3A_374 : vector<256x1024xi32>
    %shift_left3A_376 = arith.constant 6 : i32
    %shift_left3A_377 = vector.broadcast %shift_left3A_376 : i32 to vector<256x1024xi32>
    %shift_left3A_378 = arith.shli %xor3A_374, %shift_left3A_377 : vector<256x1024xi32>
    %shift_right_logical3A_379 = arith.constant 26 : i32
    %shift_right_logical3A_380 = vector.broadcast %shift_right_logical3A_379 : i32 to vector<256x1024xi32>
    %shift_right_logical3A_381 = arith.shrui %xor3A_374, %shift_right_logical3A_380 : vector<256x1024xi32>
    %or3A_382 = arith.ori %shift_left3A_378, %shift_right_logical3A_381 : vector<256x1024xi32>
    %xor3A_383 = arith.xori %add3A_375, %or3A_382 : vector<256x1024xi32>
    %add3A_384 = arith.constant 466689008 : i32
    %add3A_385 = vector.broadcast %add3A_384 : i32 to vector<256x1024xi32>
    %add3A_386 = arith.addi %add3A_375, %add3A_385 : vector<256x1024xi32>
    %add3A_387 = arith.constant 5 : i32
    %add3A_388 = vector.broadcast %add3A_387 : i32 to vector<256x1024xi32>
    %add3A_389 = arith.addi %xor3A_383, %add3A_388 : vector<256x1024xi32>
    %xor3A_390 = arith.xori %add3A_386, %add3A_389 : vector<256x1024xi32>
    %shift_right_logical3A_391 = arith.constant 9 : i32
    %shift_right_logical3A_392 = vector.broadcast %shift_right_logical3A_391 : i32 to vector<256x1024xi32>
    %shift_right_logical3A_393 = arith.shrui %xor3A_390, %shift_right_logical3A_392 : vector<256x1024xi32>
    %or3A_394 = arith.constant 1065353216 : i32
    %or3A_395 = vector.broadcast %or3A_394 : i32 to vector<256x1024xi32>
    %or3A_396 = arith.ori %shift_right_logical3A_393, %or3A_395 : vector<256x1024xi32>
    %bitcast_convert_type3A = tpu.bitcast %or3A_396 : vector<256x1024xi32> -> vector<256x1024xf32>
    %sub3A_397 = arith.constant 1.000000e+00 : f32
    %sub3A_398 = vector.broadcast %sub3A_397 : f32 to vector<256x1024xf32>
    %sub3A_399 = arith.subf %bitcast_convert_type3A, %sub3A_398 : vector<256x1024xf32>
    %log3A_400 = math.log %sub3A_399 : vector<256x1024xf32>
    %mul3A_401 = vector.broadcast %get3A_180 : vector<1x1024xf32> to vector<256x1024xf32>
    %mul3A_402 = arith.mulf %log3A_400, %mul3A_401 : vector<256x1024xf32>
    %argmin3A = tpu.reduce_index %mul3A_402 {axis = 1 : i32, kind = #tpu.reduction_kind<arg_min>} : vector<256x1024xf32> -> vector<256xi32>
    %reshape3A = vector.shape_cast %argmin3A : vector<256xi32> to vector<32x8xi32>
    %swap3A_403 = arith.constant 0 : index
    %swap3A_404 = arith.constant 0 : index
    %swap3A_405 = vector.load %arg8[%swap3A_403, %swap3A_404] : memref<128x8xi32, #tpu.memory_space<vmem>>, vector<32x8xi32>
    tpu.vector_store %arg8[%swap3A_403, %swap3A_404], %reshape3A {strides = array<i32>} : memref<128x8xi32, #tpu.memory_space<vmem>>, vector<32x8xi32>,
    %get3A_406 = arith.constant 256 : index
    %get3A_407 = arith.constant 0 : index
    %get3A_408 = vector.load %arg5[%get3A_406, %get3A_407] : memref<1024x1024xi32, #tpu.memory_space<vmem>>, vector<256x1024xi32>
    %mul3A_409 = arith.constant 1048576 : i32
    %mul3A_410 = arith.muli %arg0, %mul3A_409 : i32
    %add3A_411 = vector.broadcast %mul3A_410 : i32 to vector<256x1024xi32>
    %add3A_412 = arith.addi %get3A_408, %add3A_411 : vector<256x1024xi32>
    %shift_left3A_413 = arith.constant 13 : i32
    %shift_left3A_414 = vector.broadcast %shift_left3A_413 : i32 to vector<256x1024xi32>
    %shift_left3A_415 = arith.shli %add3A_412, %shift_left3A_414 : vector<256x1024xi32>
    %shift_right_logical3A_416 = arith.constant 19 : i32
    %shift_right_logical3A_417 = vector.broadcast %shift_right_logical3A_416 : i32 to vector<256x1024xi32>
    %shift_right_logical3A_418 = arith.shrui %add3A_412, %shift_right_logical3A_417 : vector<256x1024xi32>
    %or3A_419 = arith.ori %shift_left3A_415, %shift_right_logical3A_418 : vector<256x1024xi32>
    %xor3A_420 = arith.xori %add3A_412, %or3A_419 : vector<256x1024xi32>
    %add3A_421 = arith.addi %add3A_412, %xor3A_420 : vector<256x1024xi32>
    %shift_left3A_422 = arith.constant 15 : i32
    %shift_left3A_423 = vector.broadcast %shift_left3A_422 : i32 to vector<256x1024xi32>
    %shift_left3A_424 = arith.shli %xor3A_420, %shift_left3A_423 : vector<256x1024xi32>
    %shift_right_logical3A_425 = arith.constant 17 : i32
    %shift_right_logical3A_426 = vector.broadcast %shift_right_logical3A_425 : i32 to vector<256x1024xi32>
    %shift_right_logical3A_427 = arith.shrui %xor3A_420, %shift_right_logical3A_426 : vector<256x1024xi32>
    %or3A_428 = arith.ori %shift_left3A_424, %shift_right_logical3A_427 : vector<256x1024xi32>
    %xor3A_429 = arith.xori %add3A_421, %or3A_428 : vector<256x1024xi32>
    %add3A_430 = arith.addi %add3A_421, %xor3A_429 : vector<256x1024xi32>
    %shift_left3A_431 = arith.constant 26 : i32
    %shift_left3A_432 = vector.broadcast %shift_left3A_431 : i32 to vector<256x1024xi32>
    %shift_left3A_433 = arith.shli %xor3A_429, %shift_left3A_432 : vector<256x1024xi32>
    %shift_right_logical3A_434 = arith.constant 6 : i32
    %shift_right_logical3A_435 = vector.broadcast %shift_right_logical3A_434 : i32 to vector<256x1024xi32>
    %shift_right_logical3A_436 = arith.shrui %xor3A_429, %shift_right_logical3A_435 : vector<256x1024xi32>
    %or3A_437 = arith.ori %shift_left3A_433, %shift_right_logical3A_436 : vector<256x1024xi32>
    %xor3A_438 = arith.xori %add3A_430, %or3A_437 : vector<256x1024xi32>
    %add3A_439 = arith.addi %add3A_430, %xor3A_438 : vector<256x1024xi32>
    %shift_left3A_440 = arith.constant 6 : i32
    %shift_left3A_441 = vector.broadcast %shift_left3A_440 : i32 to vector<256x1024xi32>
    %shift_left3A_442 = arith.shli %xor3A_438, %shift_left3A_441 : vector<256x1024xi32>
    %shift_right_logical3A_443 = arith.constant 26 : i32
    %shift_right_logical3A_444 = vector.broadcast %shift_right_logical3A_443 : i32 to vector<256x1024xi32>
    %shift_right_logical3A_445 = arith.shrui %xor3A_438, %shift_right_logical3A_444 : vector<256x1024xi32>
    %or3A_446 = arith.ori %shift_left3A_442, %shift_right_logical3A_445 : vector<256x1024xi32>
    %xor3A_447 = arith.xori %add3A_439, %or3A_446 : vector<256x1024xi32>
    %add3A_448 = arith.constant 42 : i32
    %add3A_449 = vector.broadcast %add3A_448 : i32 to vector<256x1024xi32>
    %add3A_450 = arith.addi %add3A_439, %add3A_449 : vector<256x1024xi32>
    %add3A_451 = arith.constant 466689009 : i32
    %add3A_452 = vector.broadcast %add3A_451 : i32 to vector<256x1024xi32>
    %add3A_453 = arith.addi %xor3A_447, %add3A_452 : vector<256x1024xi32>
    %add3A_454 = arith.addi %add3A_450, %add3A_453 : vector<256x1024xi32>
    %shift_left3A_455 = arith.constant 17 : i32
    %shift_left3A_456 = vector.broadcast %shift_left3A_455 : i32 to vector<256x1024xi32>
    %shift_left3A_457 = arith.shli %add3A_453, %shift_left3A_456 : vector<256x1024xi32>
    %shift_right_logical3A_458 = arith.constant 15 : i32
    %shift_right_logical3A_459 = vector.broadcast %shift_right_logical3A_458 : i32 to vector<256x1024xi32>
    %shift_right_logical3A_460 = arith.shrui %add3A_453, %shift_right_logical3A_459 : vector<256x1024xi32>
    %or3A_461 = arith.ori %shift_left3A_457, %shift_right_logical3A_460 : vector<256x1024xi32>
    %xor3A_462 = arith.xori %add3A_454, %or3A_461 : vector<256x1024xi32>
    %add3A_463 = arith.addi %add3A_454, %xor3A_462 : vector<256x1024xi32>
    %shift_left3A_464 = arith.constant 29 : i32
    %shift_left3A_465 = vector.broadcast %shift_left3A_464 : i32 to vector<256x1024xi32>
    %shift_left3A_466 = arith.shli %xor3A_462, %shift_left3A_465 : vector<256x1024xi32>
    %shift_right_logical3A_467 = arith.constant 3 : i32
    %shift_right_logical3A_468 = vector.broadcast %shift_right_logical3A_467 : i32 to vector<256x1024xi32>
    %shift_right_logical3A_469 = arith.shrui %xor3A_462, %shift_right_logical3A_468 : vector<256x1024xi32>
    %or3A_470 = arith.ori %shift_left3A_466, %shift_right_logical3A_469 : vector<256x1024xi32>
    %xor3A_471 = arith.xori %add3A_463, %or3A_470 : vector<256x1024xi32>
    %add3A_472 = arith.addi %add3A_463, %xor3A_471 : vector<256x1024xi32>
    %shift_left3A_473 = arith.constant 16 : i32
    %shift_left3A_474 = vector.broadcast %shift_left3A_473 : i32 to vector<256x1024xi32>
    %shift_left3A_475 = arith.shli %xor3A_471, %shift_left3A_474 : vector<256x1024xi32>
    %shift_right_logical3A_476 = arith.constant 16 : i32
    %shift_right_logical3A_477 = vector.broadcast %shift_right_logical3A_476 : i32 to vector<256x1024xi32>
    %shift_right_logical3A_478 = arith.shrui %xor3A_471, %shift_right_logical3A_477 : vector<256x1024xi32>
    %or3A_479 = arith.ori %shift_left3A_475, %shift_right_logical3A_478 : vector<256x1024xi32>
    %xor3A_480 = arith.xori %add3A_472, %or3A_479 : vector<256x1024xi32>
    %add3A_481 = arith.addi %add3A_472, %xor3A_480 : vector<256x1024xi32>
    %shift_left3A_482 = arith.constant 24 : i32
    %shift_left3A_483 = vector.broadcast %shift_left3A_482 : i32 to vector<256x1024xi32>
    %shift_left3A_484 = arith.shli %xor3A_480, %shift_left3A_483 : vector<256x1024xi32>
    %shift_right_logical3A_485 = arith.constant 8 : i32
    %shift_right_logical3A_486 = vector.broadcast %shift_right_logical3A_485 : i32 to vector<256x1024xi32>
    %shift_right_logical3A_487 = arith.shrui %xor3A_480, %shift_right_logical3A_486 : vector<256x1024xi32>
    %or3A_488 = arith.ori %shift_left3A_484, %shift_right_logical3A_487 : vector<256x1024xi32>
    %xor3A_489 = arith.xori %add3A_481, %or3A_488 : vector<256x1024xi32>
    %add3A_490 = arith.constant 466689008 : i32
    %add3A_491 = vector.broadcast %add3A_490 : i32 to vector<256x1024xi32>
    %add3A_492 = arith.addi %add3A_481, %add3A_491 : vector<256x1024xi32>
    %add3A_493 = arith.constant 2 : i32
    %add3A_494 = vector.broadcast %add3A_493 : i32 to vector<256x1024xi32>
    %add3A_495 = arith.addi %xor3A_489, %add3A_494 : vector<256x1024xi32>
    %add3A_496 = arith.addi %add3A_492, %add3A_495 : vector<256x1024xi32>
    %shift_left3A_497 = arith.constant 13 : i32
    %shift_left3A_498 = vector.broadcast %shift_left3A_497 : i32 to vector<256x1024xi32>
    %shift_left3A_499 = arith.shli %add3A_495, %shift_left3A_498 : vector<256x1024xi32>
    %shift_right_logical3A_500 = arith.constant 19 : i32
    %shift_right_logical3A_501 = vector.broadcast %shift_right_logical3A_500 : i32 to vector<256x1024xi32>
    %shift_right_logical3A_502 = arith.shrui %add3A_495, %shift_right_logical3A_501 : vector<256x1024xi32>
    %or3A_503 = arith.ori %shift_left3A_499, %shift_right_logical3A_502 : vector<256x1024xi32>
    %xor3A_504 = arith.xori %add3A_496, %or3A_503 : vector<256x1024xi32>
    %add3A_505 = arith.addi %add3A_496, %xor3A_504 : vector<256x1024xi32>
    %shift_left3A_506 = arith.constant 15 : i32
    %shift_left3A_507 = vector.broadcast %shift_left3A_506 : i32 to vector<256x1024xi32>
    %shift_left3A_508 = arith.shli %xor3A_504, %shift_left3A_507 : vector<256x1024xi32>
    %shift_right_logical3A_509 = arith.constant 17 : i32
    %shift_right_logical3A_510 = vector.broadcast %shift_right_logical3A_509 : i32 to vector<256x1024xi32>
    %shift_right_logical3A_511 = arith.shrui %xor3A_504, %shift_right_logical3A_510 : vector<256x1024xi32>
    %or3A_512 = arith.ori %shift_left3A_508, %shift_right_logical3A_511 : vector<256x1024xi32>
    %xor3A_513 = arith.xori %add3A_505, %or3A_512 : vector<256x1024xi32>
    %add3A_514 = arith.addi %add3A_505, %xor3A_513 : vector<256x1024xi32>
    %shift_left3A_515 = arith.constant 26 : i32
    %shift_left3A_516 = vector.broadcast %shift_left3A_515 : i32 to vector<256x1024xi32>
    %shift_left3A_517 = arith.shli %xor3A_513, %shift_left3A_516 : vector<256x1024xi32>
    %shift_right_logical3A_518 = arith.constant 6 : i32
    %shift_right_logical3A_519 = vector.broadcast %shift_right_logical3A_518 : i32 to vector<256x1024xi32>
    %shift_right_logical3A_520 = arith.shrui %xor3A_513, %shift_right_logical3A_519 : vector<256x1024xi32>
    %or3A_521 = arith.ori %shift_left3A_517, %shift_right_logical3A_520 : vector<256x1024xi32>
    %xor3A_522 = arith.xori %add3A_514, %or3A_521 : vector<256x1024xi32>
    %add3A_523 = arith.addi %add3A_514, %xor3A_522 : vector<256x1024xi32>
    %shift_left3A_524 = arith.constant 6 : i32
    %shift_left3A_525 = vector.broadcast %shift_left3A_524 : i32 to vector<256x1024xi32>
    %shift_left3A_526 = arith.shli %xor3A_522, %shift_left3A_525 : vector<256x1024xi32>
    %shift_right_logical3A_527 = arith.constant 26 : i32
    %shift_right_logical3A_528 = vector.broadcast %shift_right_logical3A_527 : i32 to vector<256x1024xi32>
    %shift_right_logical3A_529 = arith.shrui %xor3A_522, %shift_right_logical3A_528 : vector<256x1024xi32>
    %or3A_530 = arith.ori %shift_left3A_526, %shift_right_logical3A_529 : vector<256x1024xi32>
    %xor3A_531 = arith.xori %add3A_523, %or3A_530 : vector<256x1024xi32>
    %add3A_532 = arith.constant 45 : i32
    %add3A_533 = vector.broadcast %add3A_532 : i32 to vector<256x1024xi32>
    %add3A_534 = arith.addi %xor3A_531, %add3A_533 : vector<256x1024xi32>
    %add3A_535 = arith.addi %add3A_523, %add3A_534 : vector<256x1024xi32>
    %shift_left3A_536 = arith.constant 17 : i32
    %shift_left3A_537 = vector.broadcast %shift_left3A_536 : i32 to vector<256x1024xi32>
    %shift_left3A_538 = arith.shli %add3A_534, %shift_left3A_537 : vector<256x1024xi32>
    %shift_right_logical3A_539 = arith.constant 15 : i32
    %shift_right_logical3A_540 = vector.broadcast %shift_right_logical3A_539 : i32 to vector<256x1024xi32>
    %shift_right_logical3A_541 = arith.shrui %add3A_534, %shift_right_logical3A_540 : vector<256x1024xi32>
    %or3A_542 = arith.ori %shift_left3A_538, %shift_right_logical3A_541 : vector<256x1024xi32>
    %xor3A_543 = arith.xori %add3A_535, %or3A_542 : vector<256x1024xi32>
    %add3A_544 = arith.addi %add3A_535, %xor3A_543 : vector<256x1024xi32>
    %shift_left3A_545 = arith.constant 29 : i32
    %shift_left3A_546 = vector.broadcast %shift_left3A_545 : i32 to vector<256x1024xi32>
    %shift_left3A_547 = arith.shli %xor3A_543, %shift_left3A_546 : vector<256x1024xi32>
    %shift_right_logical3A_548 = arith.constant 3 : i32
    %shift_right_logical3A_549 = vector.broadcast %shift_right_logical3A_548 : i32 to vector<256x1024xi32>
    %shift_right_logical3A_550 = arith.shrui %xor3A_543, %shift_right_logical3A_549 : vector<256x1024xi32>
    %or3A_551 = arith.ori %shift_left3A_547, %shift_right_logical3A_550 : vector<256x1024xi32>
    %xor3A_552 = arith.xori %add3A_544, %or3A_551 : vector<256x1024xi32>
    %add3A_553 = arith.addi %add3A_544, %xor3A_552 : vector<256x1024xi32>
    %shift_left3A_554 = arith.constant 16 : i32
    %shift_left3A_555 = vector.broadcast %shift_left3A_554 : i32 to vector<256x1024xi32>
    %shift_left3A_556 = arith.shli %xor3A_552, %shift_left3A_555 : vector<256x1024xi32>
    %shift_right_logical3A_557 = arith.constant 16 : i32
    %shift_right_logical3A_558 = vector.broadcast %shift_right_logical3A_557 : i32 to vector<256x1024xi32>
    %shift_right_logical3A_559 = arith.shrui %xor3A_552, %shift_right_logical3A_558 : vector<256x1024xi32>
    %or3A_560 = arith.ori %shift_left3A_556, %shift_right_logical3A_559 : vector<256x1024xi32>
    %xor3A_561 = arith.xori %add3A_553, %or3A_560 : vector<256x1024xi32>
    %add3A_562 = arith.addi %add3A_553, %xor3A_561 : vector<256x1024xi32>
    %shift_left3A_563 = arith.constant 24 : i32
    %shift_left3A_564 = vector.broadcast %shift_left3A_563 : i32 to vector<256x1024xi32>
    %shift_left3A_565 = arith.shli %xor3A_561, %shift_left3A_564 : vector<256x1024xi32>
    %shift_right_logical3A_566 = arith.constant 8 : i32
    %shift_right_logical3A_567 = vector.broadcast %shift_right_logical3A_566 : i32 to vector<256x1024xi32>
    %shift_right_logical3A_568 = arith.shrui %xor3A_561, %shift_right_logical3A_567 : vector<256x1024xi32>
    %or3A_569 = arith.ori %shift_left3A_565, %shift_right_logical3A_568 : vector<256x1024xi32>
    %xor3A_570 = arith.xori %add3A_562, %or3A_569 : vector<256x1024xi32>
    %add3A_571 = arith.constant 42 : i32
    %add3A_572 = vector.broadcast %add3A_571 : i32 to vector<256x1024xi32>
    %add3A_573 = arith.addi %add3A_562, %add3A_572 : vector<256x1024xi32>
    %add3A_574 = arith.constant 466689012 : i32
    %add3A_575 = vector.broadcast %add3A_574 : i32 to vector<256x1024xi32>
    %add3A_576 = arith.addi %xor3A_570, %add3A_575 : vector<256x1024xi32>
    %add3A_577 = arith.addi %add3A_573, %add3A_576 : vector<256x1024xi32>
    %shift_left3A_578 = arith.constant 13 : i32
    %shift_left3A_579 = vector.broadcast %shift_left3A_578 : i32 to vector<256x1024xi32>
    %shift_left3A_580 = arith.shli %add3A_576, %shift_left3A_579 : vector<256x1024xi32>
    %shift_right_logical3A_581 = arith.constant 19 : i32
    %shift_right_logical3A_582 = vector.broadcast %shift_right_logical3A_581 : i32 to vector<256x1024xi32>
    %shift_right_logical3A_583 = arith.shrui %add3A_576, %shift_right_logical3A_582 : vector<256x1024xi32>
    %or3A_584 = arith.ori %shift_left3A_580, %shift_right_logical3A_583 : vector<256x1024xi32>
    %xor3A_585 = arith.xori %add3A_577, %or3A_584 : vector<256x1024xi32>
    %add3A_586 = arith.addi %add3A_577, %xor3A_585 : vector<256x1024xi32>
    %shift_left3A_587 = arith.constant 15 : i32
    %shift_left3A_588 = vector.broadcast %shift_left3A_587 : i32 to vector<256x1024xi32>
    %shift_left3A_589 = arith.shli %xor3A_585, %shift_left3A_588 : vector<256x1024xi32>
    %shift_right_logical3A_590 = arith.constant 17 : i32
    %shift_right_logical3A_591 = vector.broadcast %shift_right_logical3A_590 : i32 to vector<256x1024xi32>
    %shift_right_logical3A_592 = arith.shrui %xor3A_585, %shift_right_logical3A_591 : vector<256x1024xi32>
    %or3A_593 = arith.ori %shift_left3A_589, %shift_right_logical3A_592 : vector<256x1024xi32>
    %xor3A_594 = arith.xori %add3A_586, %or3A_593 : vector<256x1024xi32>
    %add3A_595 = arith.addi %add3A_586, %xor3A_594 : vector<256x1024xi32>
    %shift_left3A_596 = arith.constant 26 : i32
    %shift_left3A_597 = vector.broadcast %shift_left3A_596 : i32 to vector<256x1024xi32>
    %shift_left3A_598 = arith.shli %xor3A_594, %shift_left3A_597 : vector<256x1024xi32>
    %shift_right_logical3A_599 = arith.constant 6 : i32
    %shift_right_logical3A_600 = vector.broadcast %shift_right_logical3A_599 : i32 to vector<256x1024xi32>
    %shift_right_logical3A_601 = arith.shrui %xor3A_594, %shift_right_logical3A_600 : vector<256x1024xi32>
    %or3A_602 = arith.ori %shift_left3A_598, %shift_right_logical3A_601 : vector<256x1024xi32>
    %xor3A_603 = arith.xori %add3A_595, %or3A_602 : vector<256x1024xi32>
    %add3A_604 = arith.addi %add3A_595, %xor3A_603 : vector<256x1024xi32>
    %shift_left3A_605 = arith.constant 6 : i32
    %shift_left3A_606 = vector.broadcast %shift_left3A_605 : i32 to vector<256x1024xi32>
    %shift_left3A_607 = arith.shli %xor3A_603, %shift_left3A_606 : vector<256x1024xi32>
    %shift_right_logical3A_608 = arith.constant 26 : i32
    %shift_right_logical3A_609 = vector.broadcast %shift_right_logical3A_608 : i32 to vector<256x1024xi32>
    %shift_right_logical3A_610 = arith.shrui %xor3A_603, %shift_right_logical3A_609 : vector<256x1024xi32>
    %or3A_611 = arith.ori %shift_left3A_607, %shift_right_logical3A_610 : vector<256x1024xi32>
    %xor3A_612 = arith.xori %add3A_604, %or3A_611 : vector<256x1024xi32>
    %add3A_613 = arith.constant 466689008 : i32
    %add3A_614 = vector.broadcast %add3A_613 : i32 to vector<256x1024xi32>
    %add3A_615 = arith.addi %add3A_604, %add3A_614 : vector<256x1024xi32>
    %add3A_616 = arith.constant 5 : i32
    %add3A_617 = vector.broadcast %add3A_616 : i32 to vector<256x1024xi32>
    %add3A_618 = arith.addi %xor3A_612, %add3A_617 : vector<256x1024xi32>
    %xor3A_619 = arith.xori %add3A_615, %add3A_618 : vector<256x1024xi32>
    %shift_right_logical3A_620 = arith.constant 9 : i32
    %shift_right_logical3A_621 = vector.broadcast %shift_right_logical3A_620 : i32 to vector<256x1024xi32>
    %shift_right_logical3A_622 = arith.shrui %xor3A_619, %shift_right_logical3A_621 : vector<256x1024xi32>
    %or3A_623 = arith.constant 1065353216 : i32
    %or3A_624 = vector.broadcast %or3A_623 : i32 to vector<256x1024xi32>
    %or3A_625 = arith.ori %shift_right_logical3A_622, %or3A_624 : vector<256x1024xi32>
    %bitcast_convert_type3A_626 = tpu.bitcast %or3A_625 : vector<256x1024xi32> -> vector<256x1024xf32>
    %sub3A_627 = arith.constant 1.000000e+00 : f32
    %sub3A_628 = vector.broadcast %sub3A_627 : f32 to vector<256x1024xf32>
    %sub3A_629 = arith.subf %bitcast_convert_type3A_626, %sub3A_628 : vector<256x1024xf32>
    %log3A_630 = math.log %sub3A_629 : vector<256x1024xf32>
    %mul3A_631 = vector.broadcast %get3A_180 : vector<1x1024xf32> to vector<256x1024xf32>
    %mul3A_632 = arith.mulf %log3A_630, %mul3A_631 : vector<256x1024xf32>
    %argmin3A_633 = tpu.reduce_index %mul3A_632 {axis = 1 : i32, kind = #tpu.reduction_kind<arg_min>} : vector<256x1024xf32> -> vector<256xi32>
    %reshape3A_634 = vector.shape_cast %argmin3A_633 : vector<256xi32> to vector<32x8xi32>
    %swap3A_635 = arith.constant 32 : index
    %swap3A_636 = arith.constant 0 : index
    %swap3A_637 = vector.load %arg8[%swap3A_635, %swap3A_636] : memref<128x8xi32, #tpu.memory_space<vmem>>, vector<32x8xi32>
    tpu.vector_store %arg8[%swap3A_635, %swap3A_636], %reshape3A_634 {strides = array<i32>} : memref<128x8xi32, #tpu.memory_space<vmem>>, vector<32x8xi32>,
    %get3A_638 = arith.constant 512 : index
    %get3A_639 = arith.constant 0 : index
    %get3A_640 = vector.load %arg5[%get3A_638, %get3A_639] : memref<1024x1024xi32, #tpu.memory_space<vmem>>, vector<256x1024xi32>
    %mul3A_641 = arith.constant 1048576 : i32
    %mul3A_642 = arith.muli %arg0, %mul3A_641 : i32
    %add3A_643 = vector.broadcast %mul3A_642 : i32 to vector<256x1024xi32>
    %add3A_644 = arith.addi %get3A_640, %add3A_643 : vector<256x1024xi32>
    %shift_left3A_645 = arith.constant 13 : i32
    %shift_left3A_646 = vector.broadcast %shift_left3A_645 : i32 to vector<256x1024xi32>
    %shift_left3A_647 = arith.shli %add3A_644, %shift_left3A_646 : vector<256x1024xi32>
    %shift_right_logical3A_648 = arith.constant 19 : i32
    %shift_right_logical3A_649 = vector.broadcast %shift_right_logical3A_648 : i32 to vector<256x1024xi32>
    %shift_right_logical3A_650 = arith.shrui %add3A_644, %shift_right_logical3A_649 : vector<256x1024xi32>
    %or3A_651 = arith.ori %shift_left3A_647, %shift_right_logical3A_650 : vector<256x1024xi32>
    %xor3A_652 = arith.xori %add3A_644, %or3A_651 : vector<256x1024xi32>
    %add3A_653 = arith.addi %add3A_644, %xor3A_652 : vector<256x1024xi32>
    %shift_left3A_654 = arith.constant 15 : i32
    %shift_left3A_655 = vector.broadcast %shift_left3A_654 : i32 to vector<256x1024xi32>
    %shift_left3A_656 = arith.shli %xor3A_652, %shift_left3A_655 : vector<256x1024xi32>
    %shift_right_logical3A_657 = arith.constant 17 : i32
    %shift_right_logical3A_658 = vector.broadcast %shift_right_logical3A_657 : i32 to vector<256x1024xi32>
    %shift_right_logical3A_659 = arith.shrui %xor3A_652, %shift_right_logical3A_658 : vector<256x1024xi32>
    %or3A_660 = arith.ori %shift_left3A_656, %shift_right_logical3A_659 : vector<256x1024xi32>
    %xor3A_661 = arith.xori %add3A_653, %or3A_660 : vector<256x1024xi32>
    %add3A_662 = arith.addi %add3A_653, %xor3A_661 : vector<256x1024xi32>
    %shift_left3A_663 = arith.constant 26 : i32
    %shift_left3A_664 = vector.broadcast %shift_left3A_663 : i32 to vector<256x1024xi32>
    %shift_left3A_665 = arith.shli %xor3A_661, %shift_left3A_664 : vector<256x1024xi32>
    %shift_right_logical3A_666 = arith.constant 6 : i32
    %shift_right_logical3A_667 = vector.broadcast %shift_right_logical3A_666 : i32 to vector<256x1024xi32>
    %shift_right_logical3A_668 = arith.shrui %xor3A_661, %shift_right_logical3A_667 : vector<256x1024xi32>
    %or3A_669 = arith.ori %shift_left3A_665, %shift_right_logical3A_668 : vector<256x1024xi32>
    %xor3A_670 = arith.xori %add3A_662, %or3A_669 : vector<256x1024xi32>
    %add3A_671 = arith.addi %add3A_662, %xor3A_670 : vector<256x1024xi32>
    %shift_left3A_672 = arith.constant 6 : i32
    %shift_left3A_673 = vector.broadcast %shift_left3A_672 : i32 to vector<256x1024xi32>
    %shift_left3A_674 = arith.shli %xor3A_670, %shift_left3A_673 : vector<256x1024xi32>
    %shift_right_logical3A_675 = arith.constant 26 : i32
    %shift_right_logical3A_676 = vector.broadcast %shift_right_logical3A_675 : i32 to vector<256x1024xi32>
    %shift_right_logical3A_677 = arith.shrui %xor3A_670, %shift_right_logical3A_676 : vector<256x1024xi32>
    %or3A_678 = arith.ori %shift_left3A_674, %shift_right_logical3A_677 : vector<256x1024xi32>
    %xor3A_679 = arith.xori %add3A_671, %or3A_678 : vector<256x1024xi32>
    %add3A_680 = arith.constant 42 : i32
    %add3A_681 = vector.broadcast %add3A_680 : i32 to vector<256x1024xi32>
    %add3A_682 = arith.addi %add3A_671, %add3A_681 : vector<256x1024xi32>
    %add3A_683 = arith.constant 466689009 : i32
    %add3A_684 = vector.broadcast %add3A_683 : i32 to vector<256x1024xi32>
    %add3A_685 = arith.addi %xor3A_679, %add3A_684 : vector<256x1024xi32>
    %add3A_686 = arith.addi %add3A_682, %add3A_685 : vector<256x1024xi32>
    %shift_left3A_687 = arith.constant 17 : i32
    %shift_left3A_688 = vector.broadcast %shift_left3A_687 : i32 to vector<256x1024xi32>
    %shift_left3A_689 = arith.shli %add3A_685, %shift_left3A_688 : vector<256x1024xi32>
    %shift_right_logical3A_690 = arith.constant 15 : i32
    %shift_right_logical3A_691 = vector.broadcast %shift_right_logical3A_690 : i32 to vector<256x1024xi32>
    %shift_right_logical3A_692 = arith.shrui %add3A_685, %shift_right_logical3A_691 : vector<256x1024xi32>
    %or3A_693 = arith.ori %shift_left3A_689, %shift_right_logical3A_692 : vector<256x1024xi32>
    %xor3A_694 = arith.xori %add3A_686, %or3A_693 : vector<256x1024xi32>
    %add3A_695 = arith.addi %add3A_686, %xor3A_694 : vector<256x1024xi32>
    %shift_left3A_696 = arith.constant 29 : i32
    %shift_left3A_697 = vector.broadcast %shift_left3A_696 : i32 to vector<256x1024xi32>
    %shift_left3A_698 = arith.shli %xor3A_694, %shift_left3A_697 : vector<256x1024xi32>
    %shift_right_logical3A_699 = arith.constant 3 : i32
    %shift_right_logical3A_700 = vector.broadcast %shift_right_logical3A_699 : i32 to vector<256x1024xi32>
    %shift_right_logical3A_701 = arith.shrui %xor3A_694, %shift_right_logical3A_700 : vector<256x1024xi32>
    %or3A_702 = arith.ori %shift_left3A_698, %shift_right_logical3A_701 : vector<256x1024xi32>
    %xor3A_703 = arith.xori %add3A_695, %or3A_702 : vector<256x1024xi32>
    %add3A_704 = arith.addi %add3A_695, %xor3A_703 : vector<256x1024xi32>
    %shift_left3A_705 = arith.constant 16 : i32
    %shift_left3A_706 = vector.broadcast %shift_left3A_705 : i32 to vector<256x1024xi32>
    %shift_left3A_707 = arith.shli %xor3A_703, %shift_left3A_706 : vector<256x1024xi32>
    %shift_right_logical3A_708 = arith.constant 16 : i32
    %shift_right_logical3A_709 = vector.broadcast %shift_right_logical3A_708 : i32 to vector<256x1024xi32>
    %shift_right_logical3A_710 = arith.shrui %xor3A_703, %shift_right_logical3A_709 : vector<256x1024xi32>
    %or3A_711 = arith.ori %shift_left3A_707, %shift_right_logical3A_710 : vector<256x1024xi32>
    %xor3A_712 = arith.xori %add3A_704, %or3A_711 : vector<256x1024xi32>
    %add3A_713 = arith.addi %add3A_704, %xor3A_712 : vector<256x1024xi32>
    %shift_left3A_714 = arith.constant 24 : i32
    %shift_left3A_715 = vector.broadcast %shift_left3A_714 : i32 to vector<256x1024xi32>
    %shift_left3A_716 = arith.shli %xor3A_712, %shift_left3A_715 : vector<256x1024xi32>
    %shift_right_logical3A_717 = arith.constant 8 : i32
    %shift_right_logical3A_718 = vector.broadcast %shift_right_logical3A_717 : i32 to vector<256x1024xi32>
    %shift_right_logical3A_719 = arith.shrui %xor3A_712, %shift_right_logical3A_718 : vector<256x1024xi32>
    %or3A_720 = arith.ori %shift_left3A_716, %shift_right_logical3A_719 : vector<256x1024xi32>
    %xor3A_721 = arith.xori %add3A_713, %or3A_720 : vector<256x1024xi32>
    %add3A_722 = arith.constant 466689008 : i32
    %add3A_723 = vector.broadcast %add3A_722 : i32 to vector<256x1024xi32>
    %add3A_724 = arith.addi %add3A_713, %add3A_723 : vector<256x1024xi32>
    %add3A_725 = arith.constant 2 : i32
    %add3A_726 = vector.broadcast %add3A_725 : i32 to vector<256x1024xi32>
    %add3A_727 = arith.addi %xor3A_721, %add3A_726 : vector<256x1024xi32>
    %add3A_728 = arith.addi %add3A_724, %add3A_727 : vector<256x1024xi32>
    %shift_left3A_729 = arith.constant 13 : i32
    %shift_left3A_730 = vector.broadcast %shift_left3A_729 : i32 to vector<256x1024xi32>
    %shift_left3A_731 = arith.shli %add3A_727, %shift_left3A_730 : vector<256x1024xi32>
    %shift_right_logical3A_732 = arith.constant 19 : i32
    %shift_right_logical3A_733 = vector.broadcast %shift_right_logical3A_732 : i32 to vector<256x1024xi32>
    %shift_right_logical3A_734 = arith.shrui %add3A_727, %shift_right_logical3A_733 : vector<256x1024xi32>
    %or3A_735 = arith.ori %shift_left3A_731, %shift_right_logical3A_734 : vector<256x1024xi32>
    %xor3A_736 = arith.xori %add3A_728, %or3A_735 : vector<256x1024xi32>
    %add3A_737 = arith.addi %add3A_728, %xor3A_736 : vector<256x1024xi32>
    %shift_left3A_738 = arith.constant 15 : i32
    %shift_left3A_739 = vector.broadcast %shift_left3A_738 : i32 to vector<256x1024xi32>
    %shift_left3A_740 = arith.shli %xor3A_736, %shift_left3A_739 : vector<256x1024xi32>
    %shift_right_logical3A_741 = arith.constant 17 : i32
    %shift_right_logical3A_742 = vector.broadcast %shift_right_logical3A_741 : i32 to vector<256x1024xi32>
    %shift_right_logical3A_743 = arith.shrui %xor3A_736, %shift_right_logical3A_742 : vector<256x1024xi32>
    %or3A_744 = arith.ori %shift_left3A_740, %shift_right_logical3A_743 : vector<256x1024xi32>
    %xor3A_745 = arith.xori %add3A_737, %or3A_744 : vector<256x1024xi32>
    %add3A_746 = arith.addi %add3A_737, %xor3A_745 : vector<256x1024xi32>
    %shift_left3A_747 = arith.constant 26 : i32
    %shift_left3A_748 = vector.broadcast %shift_left3A_747 : i32 to vector<256x1024xi32>
    %shift_left3A_749 = arith.shli %xor3A_745, %shift_left3A_748 : vector<256x1024xi32>
    %shift_right_logical3A_750 = arith.constant 6 : i32
    %shift_right_logical3A_751 = vector.broadcast %shift_right_logical3A_750 : i32 to vector<256x1024xi32>
    %shift_right_logical3A_752 = arith.shrui %xor3A_745, %shift_right_logical3A_751 : vector<256x1024xi32>
    %or3A_753 = arith.ori %shift_left3A_749, %shift_right_logical3A_752 : vector<256x1024xi32>
    %xor3A_754 = arith.xori %add3A_746, %or3A_753 : vector<256x1024xi32>
    %add3A_755 = arith.addi %add3A_746, %xor3A_754 : vector<256x1024xi32>
    %shift_left3A_756 = arith.constant 6 : i32
    %shift_left3A_757 = vector.broadcast %shift_left3A_756 : i32 to vector<256x1024xi32>
    %shift_left3A_758 = arith.shli %xor3A_754, %shift_left3A_757 : vector<256x1024xi32>
    %shift_right_logical3A_759 = arith.constant 26 : i32
    %shift_right_logical3A_760 = vector.broadcast %shift_right_logical3A_759 : i32 to vector<256x1024xi32>
    %shift_right_logical3A_761 = arith.shrui %xor3A_754, %shift_right_logical3A_760 : vector<256x1024xi32>
    %or3A_762 = arith.ori %shift_left3A_758, %shift_right_logical3A_761 : vector<256x1024xi32>
    %xor3A_763 = arith.xori %add3A_755, %or3A_762 : vector<256x1024xi32>
    %add3A_764 = arith.constant 45 : i32
    %add3A_765 = vector.broadcast %add3A_764 : i32 to vector<256x1024xi32>
    %add3A_766 = arith.addi %xor3A_763, %add3A_765 : vector<256x1024xi32>
    %add3A_767 = arith.addi %add3A_755, %add3A_766 : vector<256x1024xi32>
    %shift_left3A_768 = arith.constant 17 : i32
    %shift_left3A_769 = vector.broadcast %shift_left3A_768 : i32 to vector<256x1024xi32>
    %shift_left3A_770 = arith.shli %add3A_766, %shift_left3A_769 : vector<256x1024xi32>
    %shift_right_logical3A_771 = arith.constant 15 : i32
    %shift_right_logical3A_772 = vector.broadcast %shift_right_logical3A_771 : i32 to vector<256x1024xi32>
    %shift_right_logical3A_773 = arith.shrui %add3A_766, %shift_right_logical3A_772 : vector<256x1024xi32>
    %or3A_774 = arith.ori %shift_left3A_770, %shift_right_logical3A_773 : vector<256x1024xi32>
    %xor3A_775 = arith.xori %add3A_767, %or3A_774 : vector<256x1024xi32>
    %add3A_776 = arith.addi %add3A_767, %xor3A_775 : vector<256x1024xi32>
    %shift_left3A_777 = arith.constant 29 : i32
    %shift_left3A_778 = vector.broadcast %shift_left3A_777 : i32 to vector<256x1024xi32>
    %shift_left3A_779 = arith.shli %xor3A_775, %shift_left3A_778 : vector<256x1024xi32>
    %shift_right_logical3A_780 = arith.constant 3 : i32
    %shift_right_logical3A_781 = vector.broadcast %shift_right_logical3A_780 : i32 to vector<256x1024xi32>
    %shift_right_logical3A_782 = arith.shrui %xor3A_775, %shift_right_logical3A_781 : vector<256x1024xi32>
    %or3A_783 = arith.ori %shift_left3A_779, %shift_right_logical3A_782 : vector<256x1024xi32>
    %xor3A_784 = arith.xori %add3A_776, %or3A_783 : vector<256x1024xi32>
    %add3A_785 = arith.addi %add3A_776, %xor3A_784 : vector<256x1024xi32>
    %shift_left3A_786 = arith.constant 16 : i32
    %shift_left3A_787 = vector.broadcast %shift_left3A_786 : i32 to vector<256x1024xi32>
    %shift_left3A_788 = arith.shli %xor3A_784, %shift_left3A_787 : vector<256x1024xi32>
    %shift_right_logical3A_789 = arith.constant 16 : i32
    %shift_right_logical3A_790 = vector.broadcast %shift_right_logical3A_789 : i32 to vector<256x1024xi32>
    %shift_right_logical3A_791 = arith.shrui %xor3A_784, %shift_right_logical3A_790 : vector<256x1024xi32>
    %or3A_792 = arith.ori %shift_left3A_788, %shift_right_logical3A_791 : vector<256x1024xi32>
    %xor3A_793 = arith.xori %add3A_785, %or3A_792 : vector<256x1024xi32>
    %add3A_794 = arith.addi %add3A_785, %xor3A_793 : vector<256x1024xi32>
    %shift_left3A_795 = arith.constant 24 : i32
    %shift_left3A_796 = vector.broadcast %shift_left3A_795 : i32 to vector<256x1024xi32>
    %shift_left3A_797 = arith.shli %xor3A_793, %shift_left3A_796 : vector<256x1024xi32>
    %shift_right_logical3A_798 = arith.constant 8 : i32
    %shift_right_logical3A_799 = vector.broadcast %shift_right_logical3A_798 : i32 to vector<256x1024xi32>
    %shift_right_logical3A_800 = arith.shrui %xor3A_793, %shift_right_logical3A_799 : vector<256x1024xi32>
    %or3A_801 = arith.ori %shift_left3A_797, %shift_right_logical3A_800 : vector<256x1024xi32>
    %xor3A_802 = arith.xori %add3A_794, %or3A_801 : vector<256x1024xi32>
    %add3A_803 = arith.constant 42 : i32
    %add3A_804 = vector.broadcast %add3A_803 : i32 to vector<256x1024xi32>
    %add3A_805 = arith.addi %add3A_794, %add3A_804 : vector<256x1024xi32>
    %add3A_806 = arith.constant 466689012 : i32
    %add3A_807 = vector.broadcast %add3A_806 : i32 to vector<256x1024xi32>
    %add3A_808 = arith.addi %xor3A_802, %add3A_807 : vector<256x1024xi32>
    %add3A_809 = arith.addi %add3A_805, %add3A_808 : vector<256x1024xi32>
    %shift_left3A_810 = arith.constant 13 : i32
    %shift_left3A_811 = vector.broadcast %shift_left3A_810 : i32 to vector<256x1024xi32>
    %shift_left3A_812 = arith.shli %add3A_808, %shift_left3A_811 : vector<256x1024xi32>
    %shift_right_logical3A_813 = arith.constant 19 : i32
    %shift_right_logical3A_814 = vector.broadcast %shift_right_logical3A_813 : i32 to vector<256x1024xi32>
    %shift_right_logical3A_815 = arith.shrui %add3A_808, %shift_right_logical3A_814 : vector<256x1024xi32>
    %or3A_816 = arith.ori %shift_left3A_812, %shift_right_logical3A_815 : vector<256x1024xi32>
    %xor3A_817 = arith.xori %add3A_809, %or3A_816 : vector<256x1024xi32>
    %add3A_818 = arith.addi %add3A_809, %xor3A_817 : vector<256x1024xi32>
    %shift_left3A_819 = arith.constant 15 : i32
    %shift_left3A_820 = vector.broadcast %shift_left3A_819 : i32 to vector<256x1024xi32>
    %shift_left3A_821 = arith.shli %xor3A_817, %shift_left3A_820 : vector<256x1024xi32>
    %shift_right_logical3A_822 = arith.constant 17 : i32
    %shift_right_logical3A_823 = vector.broadcast %shift_right_logical3A_822 : i32 to vector<256x1024xi32>
    %shift_right_logical3A_824 = arith.shrui %xor3A_817, %shift_right_logical3A_823 : vector<256x1024xi32>
    %or3A_825 = arith.ori %shift_left3A_821, %shift_right_logical3A_824 : vector<256x1024xi32>
    %xor3A_826 = arith.xori %add3A_818, %or3A_825 : vector<256x1024xi32>
    %add3A_827 = arith.addi %add3A_818, %xor3A_826 : vector<256x1024xi32>
    %shift_left3A_828 = arith.constant 26 : i32
    %shift_left3A_829 = vector.broadcast %shift_left3A_828 : i32 to vector<256x1024xi32>
    %shift_left3A_830 = arith.shli %xor3A_826, %shift_left3A_829 : vector<256x1024xi32>
    %shift_right_logical3A_831 = arith.constant 6 : i32
    %shift_right_logical3A_832 = vector.broadcast %shift_right_logical3A_831 : i32 to vector<256x1024xi32>
    %shift_right_logical3A_833 = arith.shrui %xor3A_826, %shift_right_logical3A_832 : vector<256x1024xi32>
    %or3A_834 = arith.ori %shift_left3A_830, %shift_right_logical3A_833 : vector<256x1024xi32>
    %xor3A_835 = arith.xori %add3A_827, %or3A_834 : vector<256x1024xi32>
    %add3A_836 = arith.addi %add3A_827, %xor3A_835 : vector<256x1024xi32>
    %shift_left3A_837 = arith.constant 6 : i32
    %shift_left3A_838 = vector.broadcast %shift_left3A_837 : i32 to vector<256x1024xi32>
    %shift_left3A_839 = arith.shli %xor3A_835, %shift_left3A_838 : vector<256x1024xi32>
    %shift_right_logical3A_840 = arith.constant 26 : i32
    %shift_right_logical3A_841 = vector.broadcast %shift_right_logical3A_840 : i32 to vector<256x1024xi32>
    %shift_right_logical3A_842 = arith.shrui %xor3A_835, %shift_right_logical3A_841 : vector<256x1024xi32>
    %or3A_843 = arith.ori %shift_left3A_839, %shift_right_logical3A_842 : vector<256x1024xi32>
    %xor3A_844 = arith.xori %add3A_836, %or3A_843 : vector<256x1024xi32>
    %add3A_845 = arith.constant 466689008 : i32
    %add3A_846 = vector.broadcast %add3A_845 : i32 to vector<256x1024xi32>
    %add3A_847 = arith.addi %add3A_836, %add3A_846 : vector<256x1024xi32>
    %add3A_848 = arith.constant 5 : i32
    %add3A_849 = vector.broadcast %add3A_848 : i32 to vector<256x1024xi32>
    %add3A_850 = arith.addi %xor3A_844, %add3A_849 : vector<256x1024xi32>
    %xor3A_851 = arith.xori %add3A_847, %add3A_850 : vector<256x1024xi32>
    %shift_right_logical3A_852 = arith.constant 9 : i32
    %shift_right_logical3A_853 = vector.broadcast %shift_right_logical3A_852 : i32 to vector<256x1024xi32>
    %shift_right_logical3A_854 = arith.shrui %xor3A_851, %shift_right_logical3A_853 : vector<256x1024xi32>
    %or3A_855 = arith.constant 1065353216 : i32
    %or3A_856 = vector.broadcast %or3A_855 : i32 to vector<256x1024xi32>
    %or3A_857 = arith.ori %shift_right_logical3A_854, %or3A_856 : vector<256x1024xi32>
    %bitcast_convert_type3A_858 = tpu.bitcast %or3A_857 : vector<256x1024xi32> -> vector<256x1024xf32>
    %sub3A_859 = arith.constant 1.000000e+00 : f32
    %sub3A_860 = vector.broadcast %sub3A_859 : f32 to vector<256x1024xf32>
    %sub3A_861 = arith.subf %bitcast_convert_type3A_858, %sub3A_860 : vector<256x1024xf32>
    %log3A_862 = math.log %sub3A_861 : vector<256x1024xf32>
    %mul3A_863 = vector.broadcast %get3A_180 : vector<1x1024xf32> to vector<256x1024xf32>
    %mul3A_864 = arith.mulf %log3A_862, %mul3A_863 : vector<256x1024xf32>
    %argmin3A_865 = tpu.reduce_index %mul3A_864 {axis = 1 : i32, kind = #tpu.reduction_kind<arg_min>} : vector<256x1024xf32> -> vector<256xi32>
    %reshape3A_866 = vector.shape_cast %argmin3A_865 : vector<256xi32> to vector<32x8xi32>
    %swap3A_867 = arith.constant 64 : index
    %swap3A_868 = arith.constant 0 : index
    %swap3A_869 = vector.load %arg8[%swap3A_867, %swap3A_868] : memref<128x8xi32, #tpu.memory_space<vmem>>, vector<32x8xi32>
    tpu.vector_store %arg8[%swap3A_867, %swap3A_868], %reshape3A_866 {strides = array<i32>} : memref<128x8xi32, #tpu.memory_space<vmem>>, vector<32x8xi32>,
    %get3A_870 = arith.constant 768 : index
    %get3A_871 = arith.constant 0 : index
    %get3A_872 = vector.load %arg5[%get3A_870, %get3A_871] : memref<1024x1024xi32, #tpu.memory_space<vmem>>, vector<256x1024xi32>
    %mul3A_873 = arith.constant 1048576 : i32
    %mul3A_874 = arith.muli %arg0, %mul3A_873 : i32
    %add3A_875 = vector.broadcast %mul3A_874 : i32 to vector<256x1024xi32>
    %add3A_876 = arith.addi %get3A_872, %add3A_875 : vector<256x1024xi32>
    %shift_left3A_877 = arith.constant 13 : i32
    %shift_left3A_878 = vector.broadcast %shift_left3A_877 : i32 to vector<256x1024xi32>
    %shift_left3A_879 = arith.shli %add3A_876, %shift_left3A_878 : vector<256x1024xi32>
    %shift_right_logical3A_880 = arith.constant 19 : i32
    %shift_right_logical3A_881 = vector.broadcast %shift_right_logical3A_880 : i32 to vector<256x1024xi32>
    %shift_right_logical3A_882 = arith.shrui %add3A_876, %shift_right_logical3A_881 : vector<256x1024xi32>
    %or3A_883 = arith.ori %shift_left3A_879, %shift_right_logical3A_882 : vector<256x1024xi32>
    %xor3A_884 = arith.xori %add3A_876, %or3A_883 : vector<256x1024xi32>
    %add3A_885 = arith.addi %add3A_876, %xor3A_884 : vector<256x1024xi32>
    %shift_left3A_886 = arith.constant 15 : i32
    %shift_left3A_887 = vector.broadcast %shift_left3A_886 : i32 to vector<256x1024xi32>
    %shift_left3A_888 = arith.shli %xor3A_884, %shift_left3A_887 : vector<256x1024xi32>
    %shift_right_logical3A_889 = arith.constant 17 : i32
    %shift_right_logical3A_890 = vector.broadcast %shift_right_logical3A_889 : i32 to vector<256x1024xi32>
    %shift_right_logical3A_891 = arith.shrui %xor3A_884, %shift_right_logical3A_890 : vector<256x1024xi32>
    %or3A_892 = arith.ori %shift_left3A_888, %shift_right_logical3A_891 : vector<256x1024xi32>
    %xor3A_893 = arith.xori %add3A_885, %or3A_892 : vector<256x1024xi32>
    %add3A_894 = arith.addi %add3A_885, %xor3A_893 : vector<256x1024xi32>
    %shift_left3A_895 = arith.constant 26 : i32
    %shift_left3A_896 = vector.broadcast %shift_left3A_895 : i32 to vector<256x1024xi32>
    %shift_left3A_897 = arith.shli %xor3A_893, %shift_left3A_896 : vector<256x1024xi32>
    %shift_right_logical3A_898 = arith.constant 6 : i32
    %shift_right_logical3A_899 = vector.broadcast %shift_right_logical3A_898 : i32 to vector<256x1024xi32>
    %shift_right_logical3A_900 = arith.shrui %xor3A_893, %shift_right_logical3A_899 : vector<256x1024xi32>
    %or3A_901 = arith.ori %shift_left3A_897, %shift_right_logical3A_900 : vector<256x1024xi32>
    %xor3A_902 = arith.xori %add3A_894, %or3A_901 : vector<256x1024xi32>
    %add3A_903 = arith.addi %add3A_894, %xor3A_902 : vector<256x1024xi32>
    %shift_left3A_904 = arith.constant 6 : i32
    %shift_left3A_905 = vector.broadcast %shift_left3A_904 : i32 to vector<256x1024xi32>
    %shift_left3A_906 = arith.shli %xor3A_902, %shift_left3A_905 : vector<256x1024xi32>
    %shift_right_logical3A_907 = arith.constant 26 : i32
    %shift_right_logical3A_908 = vector.broadcast %shift_right_logical3A_907 : i32 to vector<256x1024xi32>
    %shift_right_logical3A_909 = arith.shrui %xor3A_902, %shift_right_logical3A_908 : vector<256x1024xi32>
    %or3A_910 = arith.ori %shift_left3A_906, %shift_right_logical3A_909 : vector<256x1024xi32>
    %xor3A_911 = arith.xori %add3A_903, %or3A_910 : vector<256x1024xi32>
    %add3A_912 = arith.constant 42 : i32
    %add3A_913 = vector.broadcast %add3A_912 : i32 to vector<256x1024xi32>
    %add3A_914 = arith.addi %add3A_903, %add3A_913 : vector<256x1024xi32>
    %add3A_915 = arith.constant 466689009 : i32
    %add3A_916 = vector.broadcast %add3A_915 : i32 to vector<256x1024xi32>
    %add3A_917 = arith.addi %xor3A_911, %add3A_916 : vector<256x1024xi32>
    %add3A_918 = arith.addi %add3A_914, %add3A_917 : vector<256x1024xi32>
    %shift_left3A_919 = arith.constant 17 : i32
    %shift_left3A_920 = vector.broadcast %shift_left3A_919 : i32 to vector<256x1024xi32>
    %shift_left3A_921 = arith.shli %add3A_917, %shift_left3A_920 : vector<256x1024xi32>
    %shift_right_logical3A_922 = arith.constant 15 : i32
    %shift_right_logical3A_923 = vector.broadcast %shift_right_logical3A_922 : i32 to vector<256x1024xi32>
    %shift_right_logical3A_924 = arith.shrui %add3A_917, %shift_right_logical3A_923 : vector<256x1024xi32>
    %or3A_925 = arith.ori %shift_left3A_921, %shift_right_logical3A_924 : vector<256x1024xi32>
    %xor3A_926 = arith.xori %add3A_918, %or3A_925 : vector<256x1024xi32>
    %add3A_927 = arith.addi %add3A_918, %xor3A_926 : vector<256x1024xi32>
    %shift_left3A_928 = arith.constant 29 : i32
    %shift_left3A_929 = vector.broadcast %shift_left3A_928 : i32 to vector<256x1024xi32>
    %shift_left3A_930 = arith.shli %xor3A_926, %shift_left3A_929 : vector<256x1024xi32>
    %shift_right_logical3A_931 = arith.constant 3 : i32
    %shift_right_logical3A_932 = vector.broadcast %shift_right_logical3A_931 : i32 to vector<256x1024xi32>
    %shift_right_logical3A_933 = arith.shrui %xor3A_926, %shift_right_logical3A_932 : vector<256x1024xi32>
    %or3A_934 = arith.ori %shift_left3A_930, %shift_right_logical3A_933 : vector<256x1024xi32>
    %xor3A_935 = arith.xori %add3A_927, %or3A_934 : vector<256x1024xi32>
    %add3A_936 = arith.addi %add3A_927, %xor3A_935 : vector<256x1024xi32>
    %shift_left3A_937 = arith.constant 16 : i32
    %shift_left3A_938 = vector.broadcast %shift_left3A_937 : i32 to vector<256x1024xi32>
    %shift_left3A_939 = arith.shli %xor3A_935, %shift_left3A_938 : vector<256x1024xi32>
    %shift_right_logical3A_940 = arith.constant 16 : i32
    %shift_right_logical3A_941 = vector.broadcast %shift_right_logical3A_940 : i32 to vector<256x1024xi32>
    %shift_right_logical3A_942 = arith.shrui %xor3A_935, %shift_right_logical3A_941 : vector<256x1024xi32>
    %or3A_943 = arith.ori %shift_left3A_939, %shift_right_logical3A_942 : vector<256x1024xi32>
    %xor3A_944 = arith.xori %add3A_936, %or3A_943 : vector<256x1024xi32>
    %add3A_945 = arith.addi %add3A_936, %xor3A_944 : vector<256x1024xi32>
    %shift_left3A_946 = arith.constant 24 : i32
    %shift_left3A_947 = vector.broadcast %shift_left3A_946 : i32 to vector<256x1024xi32>
    %shift_left3A_948 = arith.shli %xor3A_944, %shift_left3A_947 : vector<256x1024xi32>
    %shift_right_logical3A_949 = arith.constant 8 : i32
    %shift_right_logical3A_950 = vector.broadcast %shift_right_logical3A_949 : i32 to vector<256x1024xi32>
    %shift_right_logical3A_951 = arith.shrui %xor3A_944, %shift_right_logical3A_950 : vector<256x1024xi32>
    %or3A_952 = arith.ori %shift_left3A_948, %shift_right_logical3A_951 : vector<256x1024xi32>
    %xor3A_953 = arith.xori %add3A_945, %or3A_952 : vector<256x1024xi32>
    %add3A_954 = arith.constant 466689008 : i32
    %add3A_955 = vector.broadcast %add3A_954 : i32 to vector<256x1024xi32>
    %add3A_956 = arith.addi %add3A_945, %add3A_955 : vector<256x1024xi32>
    %add3A_957 = arith.constant 2 : i32
    %add3A_958 = vector.broadcast %add3A_957 : i32 to vector<256x1024xi32>
    %add3A_959 = arith.addi %xor3A_953, %add3A_958 : vector<256x1024xi32>
    %add3A_960 = arith.addi %add3A_956, %add3A_959 : vector<256x1024xi32>
    %shift_left3A_961 = arith.constant 13 : i32
    %shift_left3A_962 = vector.broadcast %shift_left3A_961 : i32 to vector<256x1024xi32>
    %shift_left3A_963 = arith.shli %add3A_959, %shift_left3A_962 : vector<256x1024xi32>
    %shift_right_logical3A_964 = arith.constant 19 : i32
    %shift_right_logical3A_965 = vector.broadcast %shift_right_logical3A_964 : i32 to vector<256x1024xi32>
    %shift_right_logical3A_966 = arith.shrui %add3A_959, %shift_right_logical3A_965 : vector<256x1024xi32>
    %or3A_967 = arith.ori %shift_left3A_963, %shift_right_logical3A_966 : vector<256x1024xi32>
    %xor3A_968 = arith.xori %add3A_960, %or3A_967 : vector<256x1024xi32>
    %add3A_969 = arith.addi %add3A_960, %xor3A_968 : vector<256x1024xi32>
    %shift_left3A_970 = arith.constant 15 : i32
    %shift_left3A_971 = vector.broadcast %shift_left3A_970 : i32 to vector<256x1024xi32>
    %shift_left3A_972 = arith.shli %xor3A_968, %shift_left3A_971 : vector<256x1024xi32>
    %shift_right_logical3A_973 = arith.constant 17 : i32
    %shift_right_logical3A_974 = vector.broadcast %shift_right_logical3A_973 : i32 to vector<256x1024xi32>
    %shift_right_logical3A_975 = arith.shrui %xor3A_968, %shift_right_logical3A_974 : vector<256x1024xi32>
    %or3A_976 = arith.ori %shift_left3A_972, %shift_right_logical3A_975 : vector<256x1024xi32>
    %xor3A_977 = arith.xori %add3A_969, %or3A_976 : vector<256x1024xi32>
    %add3A_978 = arith.addi %add3A_969, %xor3A_977 : vector<256x1024xi32>
    %shift_left3A_979 = arith.constant 26 : i32
    %shift_left3A_980 = vector.broadcast %shift_left3A_979 : i32 to vector<256x1024xi32>
    %shift_left3A_981 = arith.shli %xor3A_977, %shift_left3A_980 : vector<256x1024xi32>
    %shift_right_logical3A_982 = arith.constant 6 : i32
    %shift_right_logical3A_983 = vector.broadcast %shift_right_logical3A_982 : i32 to vector<256x1024xi32>
    %shift_right_logical3A_984 = arith.shrui %xor3A_977, %shift_right_logical3A_983 : vector<256x1024xi32>
    %or3A_985 = arith.ori %shift_left3A_981, %shift_right_logical3A_984 : vector<256x1024xi32>
    %xor3A_986 = arith.xori %add3A_978, %or3A_985 : vector<256x1024xi32>
    %add3A_987 = arith.addi %add3A_978, %xor3A_986 : vector<256x1024xi32>
    %shift_left3A_988 = arith.constant 6 : i32
    %shift_left3A_989 = vector.broadcast %shift_left3A_988 : i32 to vector<256x1024xi32>
    %shift_left3A_990 = arith.shli %xor3A_986, %shift_left3A_989 : vector<256x1024xi32>
    %shift_right_logical3A_991 = arith.constant 26 : i32
    %shift_right_logical3A_992 = vector.broadcast %shift_right_logical3A_991 : i32 to vector<256x1024xi32>
    %shift_right_logical3A_993 = arith.shrui %xor3A_986, %shift_right_logical3A_992 : vector<256x1024xi32>
    %or3A_994 = arith.ori %shift_left3A_990, %shift_right_logical3A_993 : vector<256x1024xi32>
    %xor3A_995 = arith.xori %add3A_987, %or3A_994 : vector<256x1024xi32>
    %add3A_996 = arith.constant 45 : i32
    %add3A_997 = vector.broadcast %add3A_996 : i32 to vector<256x1024xi32>
    %add3A_998 = arith.addi %xor3A_995, %add3A_997 : vector<256x1024xi32>
    %add3A_999 = arith.addi %add3A_987, %add3A_998 : vector<256x1024xi32>
    %shift_left3A_1000 = arith.constant 17 : i32
    %shift_left3A_1001 = vector.broadcast %shift_left3A_1000 : i32 to vector<256x1024xi32>
    %shift_left3A_1002 = arith.shli %add3A_998, %shift_left3A_1001 : vector<256x1024xi32>
    %shift_right_logical3A_1003 = arith.constant 15 : i32
    %shift_right_logical3A_1004 = vector.broadcast %shift_right_logical3A_1003 : i32 to vector<256x1024xi32>
    %shift_right_logical3A_1005 = arith.shrui %add3A_998, %shift_right_logical3A_1004 : vector<256x1024xi32>
    %or3A_1006 = arith.ori %shift_left3A_1002, %shift_right_logical3A_1005 : vector<256x1024xi32>
    %xor3A_1007 = arith.xori %add3A_999, %or3A_1006 : vector<256x1024xi32>
    %add3A_1008 = arith.addi %add3A_999, %xor3A_1007 : vector<256x1024xi32>
    %shift_left3A_1009 = arith.constant 29 : i32
    %shift_left3A_1010 = vector.broadcast %shift_left3A_1009 : i32 to vector<256x1024xi32>
    %shift_left3A_1011 = arith.shli %xor3A_1007, %shift_left3A_1010 : vector<256x1024xi32>
    %shift_right_logical3A_1012 = arith.constant 3 : i32
    %shift_right_logical3A_1013 = vector.broadcast %shift_right_logical3A_1012 : i32 to vector<256x1024xi32>
    %shift_right_logical3A_1014 = arith.shrui %xor3A_1007, %shift_right_logical3A_1013 : vector<256x1024xi32>
    %or3A_1015 = arith.ori %shift_left3A_1011, %shift_right_logical3A_1014 : vector<256x1024xi32>
    %xor3A_1016 = arith.xori %add3A_1008, %or3A_1015 : vector<256x1024xi32>
    %add3A_1017 = arith.addi %add3A_1008, %xor3A_1016 : vector<256x1024xi32>
    %shift_left3A_1018 = arith.constant 16 : i32
    %shift_left3A_1019 = vector.broadcast %shift_left3A_1018 : i32 to vector<256x1024xi32>
    %shift_left3A_1020 = arith.shli %xor3A_1016, %shift_left3A_1019 : vector<256x1024xi32>
    %shift_right_logical3A_1021 = arith.constant 16 : i32
    %shift_right_logical3A_1022 = vector.broadcast %shift_right_logical3A_1021 : i32 to vector<256x1024xi32>
    %shift_right_logical3A_1023 = arith.shrui %xor3A_1016, %shift_right_logical3A_1022 : vector<256x1024xi32>
    %or3A_1024 = arith.ori %shift_left3A_1020, %shift_right_logical3A_1023 : vector<256x1024xi32>
    %xor3A_1025 = arith.xori %add3A_1017, %or3A_1024 : vector<256x1024xi32>
    %add3A_1026 = arith.addi %add3A_1017, %xor3A_1025 : vector<256x1024xi32>
    %shift_left3A_1027 = arith.constant 24 : i32
    %shift_left3A_1028 = vector.broadcast %shift_left3A_1027 : i32 to vector<256x1024xi32>
    %shift_left3A_1029 = arith.shli %xor3A_1025, %shift_left3A_1028 : vector<256x1024xi32>
    %shift_right_logical3A_1030 = arith.constant 8 : i32
    %shift_right_logical3A_1031 = vector.broadcast %shift_right_logical3A_1030 : i32 to vector<256x1024xi32>
    %shift_right_logical3A_1032 = arith.shrui %xor3A_1025, %shift_right_logical3A_1031 : vector<256x1024xi32>
    %or3A_1033 = arith.ori %shift_left3A_1029, %shift_right_logical3A_1032 : vector<256x1024xi32>
    %xor3A_1034 = arith.xori %add3A_1026, %or3A_1033 : vector<256x1024xi32>
    %add3A_1035 = arith.constant 42 : i32
    %add3A_1036 = vector.broadcast %add3A_1035 : i32 to vector<256x1024xi32>
    %add3A_1037 = arith.addi %add3A_1026, %add3A_1036 : vector<256x1024xi32>
    %add3A_1038 = arith.constant 466689012 : i32
    %add3A_1039 = vector.broadcast %add3A_1038 : i32 to vector<256x1024xi32>
    %add3A_1040 = arith.addi %xor3A_1034, %add3A_1039 : vector<256x1024xi32>
    %add3A_1041 = arith.addi %add3A_1037, %add3A_1040 : vector<256x1024xi32>
    %shift_left3A_1042 = arith.constant 13 : i32
    %shift_left3A_1043 = vector.broadcast %shift_left3A_1042 : i32 to vector<256x1024xi32>
    %shift_left3A_1044 = arith.shli %add3A_1040, %shift_left3A_1043 : vector<256x1024xi32>
    %shift_right_logical3A_1045 = arith.constant 19 : i32
    %shift_right_logical3A_1046 = vector.broadcast %shift_right_logical3A_1045 : i32 to vector<256x1024xi32>
    %shift_right_logical3A_1047 = arith.shrui %add3A_1040, %shift_right_logical3A_1046 : vector<256x1024xi32>
    %or3A_1048 = arith.ori %shift_left3A_1044, %shift_right_logical3A_1047 : vector<256x1024xi32>
    %xor3A_1049 = arith.xori %add3A_1041, %or3A_1048 : vector<256x1024xi32>
    %add3A_1050 = arith.addi %add3A_1041, %xor3A_1049 : vector<256x1024xi32>
    %shift_left3A_1051 = arith.constant 15 : i32
    %shift_left3A_1052 = vector.broadcast %shift_left3A_1051 : i32 to vector<256x1024xi32>
    %shift_left3A_1053 = arith.shli %xor3A_1049, %shift_left3A_1052 : vector<256x1024xi32>
    %shift_right_logical3A_1054 = arith.constant 17 : i32
    %shift_right_logical3A_1055 = vector.broadcast %shift_right_logical3A_1054 : i32 to vector<256x1024xi32>
    %shift_right_logical3A_1056 = arith.shrui %xor3A_1049, %shift_right_logical3A_1055 : vector<256x1024xi32>
    %or3A_1057 = arith.ori %shift_left3A_1053, %shift_right_logical3A_1056 : vector<256x1024xi32>
    %xor3A_1058 = arith.xori %add3A_1050, %or3A_1057 : vector<256x1024xi32>
    %add3A_1059 = arith.addi %add3A_1050, %xor3A_1058 : vector<256x1024xi32>
    %shift_left3A_1060 = arith.constant 26 : i32
    %shift_left3A_1061 = vector.broadcast %shift_left3A_1060 : i32 to vector<256x1024xi32>
    %shift_left3A_1062 = arith.shli %xor3A_1058, %shift_left3A_1061 : vector<256x1024xi32>
    %shift_right_logical3A_1063 = arith.constant 6 : i32
    %shift_right_logical3A_1064 = vector.broadcast %shift_right_logical3A_1063 : i32 to vector<256x1024xi32>
    %shift_right_logical3A_1065 = arith.shrui %xor3A_1058, %shift_right_logical3A_1064 : vector<256x1024xi32>
    %or3A_1066 = arith.ori %shift_left3A_1062, %shift_right_logical3A_1065 : vector<256x1024xi32>
    %xor3A_1067 = arith.xori %add3A_1059, %or3A_1066 : vector<256x1024xi32>
    %add3A_1068 = arith.addi %add3A_1059, %xor3A_1067 : vector<256x1024xi32>
    %shift_left3A_1069 = arith.constant 6 : i32
    %shift_left3A_1070 = vector.broadcast %shift_left3A_1069 : i32 to vector<256x1024xi32>
    %shift_left3A_1071 = arith.shli %xor3A_1067, %shift_left3A_1070 : vector<256x1024xi32>
    %shift_right_logical3A_1072 = arith.constant 26 : i32
    %shift_right_logical3A_1073 = vector.broadcast %shift_right_logical3A_1072 : i32 to vector<256x1024xi32>
    %shift_right_logical3A_1074 = arith.shrui %xor3A_1067, %shift_right_logical3A_1073 : vector<256x1024xi32>
    %or3A_1075 = arith.ori %shift_left3A_1071, %shift_right_logical3A_1074 : vector<256x1024xi32>
    %xor3A_1076 = arith.xori %add3A_1068, %or3A_1075 : vector<256x1024xi32>
    %add3A_1077 = arith.constant 466689008 : i32
    %add3A_1078 = vector.broadcast %add3A_1077 : i32 to vector<256x1024xi32>
    %add3A_1079 = arith.addi %add3A_1068, %add3A_1078 : vector<256x1024xi32>
    %add3A_1080 = arith.constant 5 : i32
    %add3A_1081 = vector.broadcast %add3A_1080 : i32 to vector<256x1024xi32>
    %add3A_1082 = arith.addi %xor3A_1076, %add3A_1081 : vector<256x1024xi32>
    %xor3A_1083 = arith.xori %add3A_1079, %add3A_1082 : vector<256x1024xi32>
    %shift_right_logical3A_1084 = arith.constant 9 : i32
    %shift_right_logical3A_1085 = vector.broadcast %shift_right_logical3A_1084 : i32 to vector<256x1024xi32>
    %shift_right_logical3A_1086 = arith.shrui %xor3A_1083, %shift_right_logical3A_1085 : vector<256x1024xi32>
    %or3A_1087 = arith.constant 1065353216 : i32
    %or3A_1088 = vector.broadcast %or3A_1087 : i32 to vector<256x1024xi32>
    %or3A_1089 = arith.ori %shift_right_logical3A_1086, %or3A_1088 : vector<256x1024xi32>
    %bitcast_convert_type3A_1090 = tpu.bitcast %or3A_1089 : vector<256x1024xi32> -> vector<256x1024xf32>
    %sub3A_1091 = arith.constant 1.000000e+00 : f32
    %sub3A_1092 = vector.broadcast %sub3A_1091 : f32 to vector<256x1024xf32>
    %sub3A_1093 = arith.subf %bitcast_convert_type3A_1090, %sub3A_1092 : vector<256x1024xf32>
    %log3A_1094 = math.log %sub3A_1093 : vector<256x1024xf32>
    %mul3A_1095 = vector.broadcast %get3A_180 : vector<1x1024xf32> to vector<256x1024xf32>
    %mul3A_1096 = arith.mulf %log3A_1094, %mul3A_1095 : vector<256x1024xf32>
    %argmin3A_1097 = tpu.reduce_index %mul3A_1096 {axis = 1 : i32, kind = #tpu.reduction_kind<arg_min>} : vector<256x1024xf32> -> vector<256xi32>
    %reshape3A_1098 = vector.shape_cast %argmin3A_1097 : vector<256xi32> to vector<32x8xi32>
    %swap3A_1099 = arith.constant 96 : index
    %swap3A_1100 = arith.constant 0 : index
    %swap3A_1101 = vector.load %arg8[%swap3A_1099, %swap3A_1100] : memref<128x8xi32, #tpu.memory_space<vmem>>, vector<32x8xi32>
    tpu.vector_store %arg8[%swap3A_1099, %swap3A_1100], %reshape3A_1098 {strides = array<i32>} : memref<128x8xi32, #tpu.memory_space<vmem>>, vector<32x8xi32>,
    return
  }
  func.func @transform_0(%arg0: i32) -> (i32, i32) {
    %c0_i32 = arith.constant 0 : i32
    %c0_i32_0 = arith.constant 0 : i32
    return %arg0, %c0_i32 : i32, i32
  }
  func.func @transform_1(%arg0: i32) -> (i32, i32) {
    %c0_i32 = arith.constant 0 : i32
    %c0_i32_0 = arith.constant 0 : i32
    %c0_i32_1 = arith.constant 0 : i32
    return %c0_i32, %c0_i32_0 : i32, i32
  }
  func.func @transform_2(%arg0: i32) -> (i32, i32) {
    %c0_i32 = arith.constant 0 : i32
    %c0_i32_0 = arith.constant 0 : i32
    %c0_i32_1 = arith.constant 0 : i32
    return %c0_i32, %c0_i32_0 : i32, i32
  }
  func.func @transform_3(%arg0: i32) -> (i32, i32) {
    %c0_i32 = arith.constant 0 : i32
    %c0_i32_0 = arith.constant 0 : i32
    %c0_i32_1 = arith.constant 0 : i32
    return %c0_i32, %c0_i32_0 : i32, i32
  }
  func.func @transform_4(%arg0: i32) -> (i32, i32) {
    %c0_i32 = arith.constant 0 : i32
    %c0_i32_0 = arith.constant 0 : i32
    %c0_i32_1 = arith.constant 0 : i32
    return %c0_i32, %c0_i32_0 : i32, i32
  }
  func.func @transform_5(%arg0: i32) -> (i32, i32) {
    %c0_i32 = arith.constant 0 : i32
    %c0_i32_0 = arith.constant 0 : i32
    return %arg0, %c0_i32 : i32, i32
  }
  func.func @transform_6(%arg0: i32) -> (i32, i32) {
    %c0_i32 = arith.constant 0 : i32
    %c0_i32_0 = arith.constant 0 : i32
    return %arg0, %c0_i32 : i32, i32
  }
  func.func @transform_7(%arg0: i32) -> (i32, i32) {
    %c0_i32 = arith.constant 0 : i32
    %c0_i32_0 = arith.constant 0 : i32
    return %arg0, %c0_i32 : i32, i32
  }
  func.func @transform_8(%arg0: i32) -> (i32, i32) {
    %c0_i32 = arith.constant 0 : i32
    %c0_i32_0 = arith.constant 0 : i32
    %c0_i32_1 = arith.constant 0 : i32
    return %c0_i32, %c0_i32_0 : i32, i32
  }
  func.func @transform_9(%arg0: i32) -> (i32, i32) {
    %c0_i32 = arith.constant 0 : i32
    %c0_i32_0 = arith.constant 0 : i32
    %c0_i32_1 = arith.constant 0 : i32
    return %c0_i32, %c0_i32_0 : i32, i32
  }
  func.func @transform_10(%arg0: i32) -> (i32, i32) {
    %c0_i32 = arith.constant 0 : i32
    %c0_i32_0 = arith.constant 0 : i32
    %c0_i32_1 = arith.constant 0 : i32
    return %c0_i32, %c0_i32_0 : i32, i32
  }
  func.func @transform_11(%arg0: i32) -> (i32, i32) {
    %c0_i32 = arith.constant 0 : i32
    %c0_i32_0 = arith.constant 0 : i32
    %c0_i32_1 = arith.constant 0 : i32
    return %c0_i32, %c0_i32_0 : i32, i32
  }
}

</mosaic_0001>

<sc_bundles>
// kernel: kernel.4.cloned.1.call-start
scs
__scs_entry_jumppad:
0x0: {  	(pc) =	sbr.rel $0x88, $3  }
0x1: {  	(tag) =	ssettag $0x0;
	lr =	simm.s32 $0x1  }
0x2: {  	[smem:$0x3F99] =	sst lr;
	_ =	strace $0xD0000000  }
0x3: {  	_ = 	snop  }
0x4: {  	_ = 	snop  }
0x5: {  	_ = 	snop  }
0x6: {  	_ = 	snop  }
0x7: {  	_ = 	snop  }
__scs_overlays_trampoline_lowered:
0x8: {  	[smem:$0x3FA8] =	sst s0  }
0x9: {  	[smem:$0x3FA9] =	sst s1  }
0xa: {  	[smem:$0x3FAA] =	sst s2  }
0xb: {  	[smem:$0x3FAB] =	sst s3  }
0xc: {  	[smem:$0x3FAC] =	sst s4  }
0xd: {  	[smem:$0x3FAD] =	sst s5  }
0xe: {  	[smem:$0x3FAE] =	sst s6  }
0xf: {  	[smem:$0x3FAF] =	sst s7  }
0x10: {  	[smem:$0x3FB0] =	sst s8  }
0x11: {  	[smem:$0x3FB1] =	sst s9;
	s0 =	simm.s32 @!p0 $0x0  }
0x12: {  	s1 =	sld [smem:$0x3F97];
	s0 =	simm.s32 @p0 $0x1  }
0x13: {  	[smem:$0x3FB2] =	sst s0;
	s0 =	simm.s32 @!p1 $0x0  }
0x14: {  	s2 =	sld [smem:$0x3F96];
	s0 =	simm.s32 @p1 $0x1  }
0x15: {  	[smem:$0x3FB3] =	sst s0;
	s0 =	simm.s32 @!p2 $0x0  }
0x16: {  	s3 =	sld [smem:$0x3FDB];
	s0 =	simm.s32 @p2 $0x1  }
0x17: {  	s4 =	simm.s32 $0x1BF5;
	[smem:$0x3FB5] =	sst s0  }
0x18: {  	s0 =	sld [smem:$0x3F98];
	_ =	swait.ge [sflag:s4], $0x0  }
0x19: {  	s7 =	sld [smem:$0x3F99]  }
0x1a: {  	s8 =	sadd.s32 $0xFFFFE003, lr  }
0x1b: {  	s9 =	sadd.s32 $0xFFFFFEF7, lr;
	s5 =	simm.s32 $0xFFFFFFFF;
	p2 =	slt.u32 s8, $0xFFFFF086  }
0x1c: {  	p1 =	slt.u32 s9, $0xF7A;
	s5 =	simm.s32 @!p2 $0x0  }
0x1d: {  	s5 =	simm.s32 @p1 $0x1;
	p0 =	seq.s32 s7, s2  }
0x1e: {  	s7 =	smul.u32 @!p0 $0xF7A, s2;
	p2 =	seq.s32 @!p0 s5, $0x0  }
0x1f: {  	s9 =	smul.u32 $0xF7A, s1;
	s8 =	simm.s32 @!p0 $0x1BF5;
	p2 =	por !p2, p0  }
0x20: {  	[sflag:s8] =	ssyncset.s32 @!p0 $0xFFFFF086;
	s6 =	sadd.s32 @!p0 s3, s7;
	s7 =	simm.s32 @!p0 $0x108  }
0x21: {  	s3 =	sadd.s32 s3, s9;
	s6 =	sadd.s32 @!p0 $0x88, s6;
	s7 =	simm.s32 @p2 $0x1082  }
0x22: {  	[simem:s7], [sflag:s8] =	dma.local @!p0 [hbm:s6], $0xF7A  }
0x23: {  	s9 =	sor.u32 $0xD0000000, s2;
	s6 =	simm.s32 $0x108;
	_ =	swait.ge @!p0 [sflag:s8], $0x0  }
0x24: {  	s3 =	sadd.s32 $0x88, s3;
	s6 =	simm.s32 @!p1 $0x1082;
	[sflag:s4] =	ssyncset.s32 $0xFFFFF086  }
0x25: {  	[simem:s6], [sflag:s4] =	dma.local [hbm:s3], $0xF7A  }
0x26: {  	[smem:$0x3F99] =	sst s1;
	(tag) =	ssettag s2;
	_ =	strace s9  }
0x27: {  	s1 =	sld [smem:$0x3FA9]  }
0x28: {  	s2 =	sld [smem:$0x3FAA]  }
0x29: {  	s4 =	sld [smem:$0x3FAC]  }
0x2a: {  	p0 =	seq.s32 s5, $0x0;
	s5 =	sld [smem:$0x3FAD]  }
0x2b: {  	s6 =	sld [smem:$0x3FAE]  }
0x2c: {  	s7 =	sld [smem:$0x3FAF]  }
0x2d: {  	s3 =	simm.s32 $0x108;
	s8 =	sld [smem:$0x3FB0]  }
0x2e: {  	s3 =	simm.s32 @!p0 $0x1082;
	s9 =	sld [smem:$0x3FB1]  }
0x2f: {  	lr =	sadd.s32 s0, s3;
	s0 =	sld [smem:$0x3FA8]  }
0x30: {  	s3 =	sld [smem:$0x3FAB]  }
0x31: {  	[smem:$0x3FB4] =	sst s10  }
0x32: {  	s10 =	sld [smem:$0x3FB2];
	_ =	sdelay $0x3  }
0x33: {  	p0 =	seq.s32 s10, $0x1;
	s10 =	sld [smem:$0x3FB4];
	_ =	sdelay $0x3  }
0x34: {  	[smem:$0x3FB4] =	sst s10  }
0x35: {  	s10 =	sld [smem:$0x3FB3];
	_ =	sdelay $0x3  }
0x36: {  	p1 =	seq.s32 s10, $0x1;
	s10 =	sld [smem:$0x3FB4];
	_ =	sdelay $0x3  }
0x37: {  	[smem:$0x3FB4] =	sst s10  }
0x38: {  	s10 =	sld [smem:$0x3FB5]  }
0x39: {  	_ = 	snop;
	(pc) =	sbr.ind lr, $3  }
0x3a: {  	_ = 	snop  }
0x3b: {  	_ = 	snop  }
0x3c: {  	p2 =	seq.s32 s10, $0x1;
	s10 =	sld [smem:$0x3FB4]  }
0x3d: {  	_ =	shalt  }
0x3e: {  	_ =	shalt  }
0x3f: {  	_ =	shalt  }
0x40: {  	_ =	shalt  }
0x41: {  	_ =	shalt  }
0x42: {  	_ =	shalt  }
0x43: {  	_ =	shalt  }
0x44: {  	_ =	shalt  }
0x45: {  	_ =	shalt  }
0x46: {  	_ =	shalt  }
0x47: {  	_ =	shalt  }
0x48: {  	_ =	shalt  }
0x49: {  	_ =	shalt  }
0x4a: {  	_ =	shalt  }
0x4b: {  	_ =	shalt  }
0x4c: {  	_ =	shalt  }
0x4d: {  	_ =	shalt  }
0x4e: {  	_ =	shalt  }
0x4f: {  	_ =	shalt  }
0x50: {  	_ =	shalt  }
0x51: {  	_ =	shalt  }
0x52: {  	_ =	shalt  }
0x53: {  	_ =	shalt  }
0x54: {  	_ =	shalt  }
0x55: {  	_ =	shalt  }
0x56: {  	_ =	shalt  }
0x57: {  	_ =	shalt  }
0x58: {  	_ =	shalt  }
0x59: {  	_ =	shalt  }
0x5a: {  	_ =	shalt  }
0x5b: {  	_ =	shalt  }
0x5c: {  	_ =	shalt  }
0x5d: {  	_ =	shalt  }
0x5e: {  	_ =	shalt  }
0x5f: {  	_ =	shalt  }
0x60: {  	_ =	shalt  }
0x61: {  	_ =	shalt  }
0x62: {  	_ =	shalt  }
0x63: {  	_ =	shalt  }
0x64: {  	_ =	shalt  }
0x65: {  	_ =	shalt  }
0x66: {  	_ =	shalt  }
0x67: {  	_ =	shalt  }
0x68: {  	_ =	shalt  }
0x69: {  	_ =	shalt  }
0x6a: {  	_ =	shalt  }
0x6b: {  	_ =	shalt  }
0x6c: {  	_ =	shalt  }
0x6d: {  	_ =	shalt  }
0x6e: {  	_ =	shalt  }
0x6f: {  	_ =	shalt  }
0x70: {  	_ =	shalt  }
0x71: {  	_ =	shalt  }
0x72: {  	_ =	shalt  }
0x73: {  	_ =	shalt  }
0x74: {  	_ =	shalt  }
0x75: {  	_ =	shalt  }
0x76: {  	_ =	shalt  }
0x77: {  	_ =	shalt  }
0x78: {  	_ =	shalt  }
0x79: {  	_ =	shalt  }
0x7a: {  	_ =	shalt  }
0x7b: {  	_ =	shalt  }
0x7c: {  	_ =	shalt  }
0x7d: {  	_ =	shalt  }
0x7e: {  	_ =	shalt  }
0x7f: {  	_ =	shalt  }
0x80: {  	_ =	shalt  }
0x81: {  	_ =	shalt  }
0x82: {  	_ =	shalt  }
0x83: {  	_ =	shalt  }
0x84: {  	_ =	shalt  }
0x85: {  	_ =	shalt  }
0x86: {  	_ =	shalt  }
0x87: {  	_ =	shalt  }
.Lfunc_end0:
.L_simem_size_0:
called_computation_lowered:
.L_overlay_start_0:
0x88: {  	s2 =	sld [smem:$0x3FD9]  }
0x89: {  	s3 =	sld [smem:$0x3FFE];
	_ =	sdelay $0x1  }
0x8a: {  	s1 =	srdreg.scid  }
0x8b: {  	s0 =	sand.u32 $0x1, s1  }
0x8c: {  	s14 =	sshll.u32 s0, $0xA;
	s2 =	sadd.s32 s3, s2  }
0x8d: {  	s2 =	sadd.s32 s2, s14  }
0x8e: {  	[smem:$0x3FC0] =	sst s2  }
0x8f: {  	_ = 	snop  }
0x90: {  	s2 =	sld [smem:$0x3FD0];
	_ =	sdelay $0x2  }
0x91: {  	s4 =	simm.s32 $0xA;
	s5 =	simm.s32 $0x10;
	s15 =	sld [smem:$0x3FC2]  }
0x92: {  	[smem:s5], [sflag:s4] =	dma.local [hbm:s2], $0x1  }
0x93: {  	_ =	swait.eq [sflag:s4], $0x1  }
0x94: {  	s16 =	sld [smem:$0x10];
	[sflag:s4] =	ssyncset.done $0x0  }
0x95: {  	s17 =	sld [smem:$0x11];
	[sflag:s4] =	ssyncadd.s32 $0xFFFFFFFF  }
0x96: {  	s18 =	sld [smem:$0x13];
	(tm) =	ssettm $0x1  }
0x97: {  	s6 =	sld [smem:$0x3FFB];
	_ =	sdelay $0x3  }
0x98: {  	_ =	strace s6  }
0x99: {  	s6 =	sld [smem:$0x3FFC];
	_ =	sdelay $0x3  }
0x9a: {  	_ =	strace s6  }
0x9b: {  	s6 =	sld [smem:$0x3FFD];
	_ =	sdelay $0x3  }
0x9c: {  	_ =	strace s6  }
0x9d: {  	_ =	strace $0x8FFFFFFF  }
0x9e: {  	s19 =	sld [smem:$0x3FDB];
	_ =	sdelay $0x1  }
0x9f: {  	s7 =	simm.s32 $_scs_section_size  }
0xa0: {  	s8 =	simm.s32 $_size__tile_overlayer_lowered;
	s9 =	simm.s32 $_tile_overlayer_lowered  }
0xa1: {  	s22 =	simm.s32 $0x1BFF;
	s21 =	sshll.u32 s9, $0x1;
	s6 =	sadd.s32 s7, s19  }
0xa2: {  	s10 =	simm.s32 $0x0;
	s20 =	sshll.u32 s8, $0x1;
	s8 =	sadd.s32 s21, s6  }
0xa3: {  	[timem:s10], [sflag:s22] =	dma.local [hbm:s8], s20  }
0xa4: {  	_ =	swait.ge [sflag:s22], s20  }
0xa5: {  	s7 =	ssub.s32 $0x0, s20;
	[sflag:s22] =	ssyncset.done $0x0  }
0xa6: {  	[sflag:s22] =	ssyncadd.s32 s7;
	_ =	sdelay $0x1  }
0xa7: {  	s23 =	simm.s32 $0x1B8B  }
0xa8: {  	_ =	swait.ge [sflag:s23], $0x1  }
0xa9: {  	[sflag:s23] =	ssyncset.done $0x0  }
0xaa: {  	s25 =	simm.s32 $0x1B8E;
	s24 =	sld [smem:$0x3FFE];
	[sflag:s23] =	ssyncadd.s32 $0xFFFFFFFF  }
0xab: {  	s26 =	simm.s32 $execute0_lowered;
	[smem:$0x3FD2] =	sst s25  }
0xac: {  	s8 =	sshll.u32 s26, $0x1;
	_ =	strace $0x80000046;
	[dreg:$0x1] =	wrdreg $0xFFFFFFFF  }
0xad: {  	s28 =	simm.s32 $_size_execute0_lowered;
	s6 =	sadd.s32 s6, s8;
	[dreg:$0x0] =	wrdreg $0x0  }
0xae: {  	s8 =	sshll.u32 s28, $0x1;
	[dreg:$0x2] =	wrdreg s6  }
0xaf: {  	[dreg:$0x3] =	wrdreg s8  }
0xb0: {  	[dreg:$0x4] =	wrdreg $0xC0  }
0xb1: {  	_ =	task [dreg:s10], $0x5FFFF  }
0xb2: {  	[dreg:$0x1] =	wrdreg $0xFFFFFFFF  }
0xb3: {  	[dreg:$0x0] =	wrdreg $0x60  }
0xb4: {  	[dreg:$0x2] =	wrdreg s18  }
0xb5: {  	[dreg:$0x3] =	wrdreg s24  }
0xb6: {  	[dreg:$0x4] =	wrdreg s15  }
0xb7: {  	[dreg:$0x5] =	wrdreg s17  }
0xb8: {  	[dreg:$0x6] =	wrdreg s16  }
0xb9: {  	[dreg:$0x7] =	wrdreg $0x9  }
0xba: {  	_ =	task.clear_ibuf [dreg:s10], $0x8FFFF;
	_ =	strace $0x90000046  }
0xbb: {  	s29 =	simm.s32 $0x9;
	_ =	strace $0x80000048  }
0xbc: {  	_ =	swait.ge [sflag:s29], $0x1  }
0xbd: {  	[sflag:s29] =	ssyncadd.s32 $0xFFFFFFFF  }
0xbe: {  	_ =	strace $0x90000048  }
0xbf: {  	_ =	sfence  }
0xc0: {  	s30 =	sld [smem:$0x0];
	_ =	sdelay $0x2  }
0xc1: {  	s31 =	sshll.u32 s1, $0xD;
	s1 =	sshrl.u32 s1, $0x2  }
0xc2: {  	s3 =	sand.u32 $0x4000, s31;
	s1 =	sadd.s32 s1, s30  }
0xc3: {  	s0 =	sor.u32 s3, s0;
	s1 =	sshll.u32 s1, $0x11  }
0xc4: {  	s0 =	sor.u32 s1, s0  }
0xc5: {  	s0 =	sadd.s32 $0x8F2B, s0  }
0xc6: {  	[sflag:s0] =	ssyncadd.remote.s32 $0x1  }
0xc7: {  	_ =	sfence.sel $0xFFFF  }
0xc8: {  	[dreg:$0x0] =	wrdreg $0xFFFFFFFF;
	(pc) =	sbr.abs _section_cstart, $3  }
0xc9: {  	[dreg:$0x1] =	wrdreg $0xFFFFFFFF  }
0xca: {  	_ =	task.clear_ibuf [dreg:s10], $0x2FFFF;
	_ =	strace $0x9FFFFFFF  }
0xcb: {  	(tm) =	ssettm $0x7FFFFFFF  }
tec
execute0_lowered:
.L_overlay_start_1:
0x0: {  	(tag) =	ssettag $0x1  }
0x1: {  	s5 =	rddreg [dreg:$0x0]  }
0x2: {  	s4 =	rddreg [dreg:$0x1]  }
0x3: {  	s1 =	rddreg [dreg:$0x2]  }
0x4: {  	s6 =	rddreg [dreg:$0x3]  }
0x5: {  	s7 =	rddreg [dreg:$0x4]  }
0x6: {  	s0 =	rddreg [dreg:$0x5];
	s3 =	simm.s32 $0x0;
	s8 =	srdreg.scid  }
0x7: {  	s2 =	stileid.u32;
	s12 =	simm.s32 $0x1000;
	s13 =	simm.s32 $0x1800  }
0x8: {  	s14 =	simm.s32 $0x0;
	[smem:$0x7FF] =	sst s3;
	s8 =	sand.u32 $0x1, s8  }
0x9: {  	s10 =	sshll.u32 s2, $0x9;
	s4 =	sadd.s32 $0x1600, s4;
	s9 =	ssub.s32 $0x2, s8  }
0xa: {  	s8 =	sshll.u32 s8, $0x8;
	_ =	strace $0x80000047;
	s11 =	sshrl.u32 s9, $0x1  }
0xb: {  	s8 =	sor.u32 s8, s10;
	s10 =	simm.s32 $0x800;
	s9 =	ssub.s32 s9, s11  }
0xc: {  	s5 =	sadd.s32 s5, s8;
	s6 =	sadd.s32 s6, s8;
	s7 =	sadd.s32 s7, s8  }
0xd: {  	s11 =	simm.s32 $0xC00;
	s8 =	smax.u32 s9, $0x1;
	s9 =	simm.s32 $0x1  }
.LBB2_1:
0xe: {  	[tilespmem:s3], [sflag:$0x1] =	stream.linear.gather [hbm4b:s5+s3], $0x800, $0x38;
	[tilespmem:$0x2000] =	vst v63  }
0xf: {  	_ =	swait.ge [sflag:s9], $0x800  }
0x10: {  	[sflag:s9] =	ssyncset.done $0x0  }
0x11: {  	[sflag:s9] =	ssyncadd.s32 $0xFFFFF800  }
0x12: {  	[tilespmem:s10], [sflag:$0x1] =	stream.linear.gather [hbm4b:s4+s3], $0x400, $0x38;
	[tilespmem:$0x2000] =	vst v63  }
0x13: {  	_ =	swait.ge [sflag:s9], $0x400  }
0x14: {  	[sflag:s9] =	ssyncset.done $0x0  }
0x15: {  	[sflag:s9] =	ssyncadd.s32 $0xFFFFFC00  }
0x16: {  	[tilespmem:s11], [sflag:$0x1] =	stream.linear.gather [hbm4b:s1+s3], $0x400, $0x38;
	[tilespmem:$0x2000] =	vst v63  }
0x17: {  	_ =	swait.ge [sflag:s9], $0x400  }
0x18: {  	[sflag:s9] =	ssyncset.done $0x0  }
0x19: {  	s15 =	simm.s32 $0x0;
	[sflag:s9] =	ssyncadd.s32 $0xFFFFFC00  }
0x1a: {  	v0 =	vld [tilespmem:s15+$0x0];
	_ =	sdelay $0x7  }
0x1b: {  	v1 =	vld.idx.msk [tilespmem:v0+s10+$0x0], $0xffff;
	_ =	sdelay $0x3  }
0x1c: {  	s16 =	simm.s32 $0x10;
	s17 =	simm.s32 $0x80  }
.LBB2_2:
0x1d: {  	p0 =	sne.s32 s17, $0x1FC0;
	v2 =	vld [tilespmem:s16+$0x0];
	[tilespmem:s15+$0x1000] =	vst v1  }
0x1e: {  	v1 =	vld.idx.msk [tilespmem:v0+s11+$0x0], $0xffff;
	_ =	sdelay $0x3  }
0x1f: {  	v0 =	vmov v2;
	_ =	sdelay $0x1  }
0x20: {  	[tilespmem:s15+$0x1800] =	vst v1;
	s15 =	smov.u32 s16  }
0x21: {  	v1 =	vld.idx.msk [tilespmem:v2+s10+$0x0], $0xffff  }
.Ltmp0:
0x22: {  	(pc) =	sbr.rel @p0 .LBB2_2-.Ltmp0, $2  }
0x23: {  	_ =	sdelay $0x2  }
0x24: {  	s16 =	sshra.s32 s17, $0x2;
	s17 =	sadd.s32 $0x40, s17  }
0x25: {  	_ =	sdelay $0x1  }
0x26: {  	v2 =	vld [tilespmem:s16+$0x0]  }
0x27: {  	[tilespmem:s15+$0x1000] =	vst v1  }
0x28: {  	v0 =	vld.idx.msk [tilespmem:v0+s11+$0x0], $0xffff;
	_ =	sdelay $0x4  }
0x29: {  	[tilespmem:s15+$0x1800] =	vst v0  }
0x2a: {  	v0 =	vld.idx.msk [tilespmem:v2+s10+$0x0], $0xffff;
	_ =	sdelay $0x4  }
0x2b: {  	[tilespmem:s16+$0x1000] =	vst v0  }
0x2c: {  	v0 =	vld.idx.msk [tilespmem:v2+s11+$0x0], $0xffff;
	_ =	sdelay $0x4  }
0x2d: {  	[tilespmem:s16+$0x1800] =	vst v0  }
0x2e: {  	[hbm4b:s6+s3] =	stream.linear.scatter [tilespmem:s12], [sflag:$0x1], $0x800, $0x38;
	[tilespmem:$0x2000] =	vst v63  }
0x2f: {  	s14 =	sadd.s32 $0x1, s14;
	_ =	swait.ge [sflag:s9], $0x800  }
0x30: {  	p0 =	sne.s32 s14, s8;
	[sflag:s9] =	ssyncset.done $0x0  }
.Ltmp1:
0x31: {  	[sflag:s9] =	ssyncadd.s32 $0xFFFFF800;
	(pc) =	sbr.rel @p0 .LBB2_1-.Ltmp1, $4  }
0x32: {  	[hbm4b:s7+s3] =	stream.linear.scatter [tilespmem:s13], [sflag:$0x1], $0x800, $0x38;
	[tilespmem:$0x2000] =	vst v63  }
0x33: {  	_ =	swait.ge [sflag:s9], $0x800  }
0x34: {  	[sflag:s9] =	ssyncset.done $0x0  }
0x35: {  	[sflag:s9] =	ssyncadd.s32 $0xFFFFF800  }
0x36: {  	_ =	sfence.sel $0x180000  }
0x37: {  	[bflag:$0x0] =	sbarrier.arrive $0xFFFF  }
0x38: {  	p0 =	sne.s32 s2, $0x0;
	_ =	strace $0x90000047  }
0x39: {  	s0 =	sadd.s32 @!p0 $0x100000, s0;
	[bflag:$0x2] =	sbarrier.arrive $0xFFFF  }
0x3a: {  	[sflag:s0] =	ssyncadd.tile.s32 @!p0 $0x1;
	_ =	shalt  }
.Lfunc_end2:
_tile_overlayer_lowered:
.L_overlay_start_2:
0x3b: {  	(tag) =	ssettag $0x2  }
0x3c: {  	s0 =	rddreg [dreg:$0x0];
	s2 =	stileid.u32  }
0x3d: {  	s1 =	rddreg [dreg:$0x1];
	p0 =	sne.s32 s2, $0x0  }
0x3e: {  	s3 =	rddreg [dreg:$0x2];
	[bflag:$0x3] =	sbarrier.arrive $0xFFFF;
	s2 =	simm.s32 @!p0 $0x1C01  }
0x3f: {  	[timem:s3], [sflag:s2] =	dma.local @!p0 [hbm:s0], s1  }
0x40: {  	s0 =	simm.s32 @!p0 $0x1  }
0x41: {  	_ =	swait.ge @!p0 [sflag:s0], s1  }
0x42: {  	s1 =	ssub.s32 @!p0 $0x0, s1;
	[sflag:s0] =	ssyncset.done @!p0 $0x0  }
0x43: {  	[sflag:s0] =	ssyncadd.s32 @!p0 s1  }
0x44: {  	[bflag:$0x3] =	sbarrier.arrive $0xFFFF  }
0x45: {  	_ =	shalt  }

</sc_bundles>
